<compile_context>
chip_gen: v7x
topology: tpu7x:2x2x1
jax: 0.10.2.dev20260603
libtpu: 0.0.44.dev20260713+nightly
codegen_flags: <defaults>
</compile_context>

<pallas_src>
import jax
import jax.numpy as jnp
from jax.experimental import pallas as pl

_IN = 256
_OUT = 256
_P = 3
_H = 4
_HD = _OUT // _H
_TAB = 1024
_QB = 1736


def _tables_kernel(s_full_ref, s1k_ref, Wk_ref, bk_ref, Wv_ref, bv_ref,
                   ktab_ref, vtab_ref, smean_ref):
    s1k = s1k_ref[0]
    kt = jnp.dot(s1k, Wk_ref[...], preferred_element_type=jnp.float32) + bk_ref[0]
    vt = jnp.dot(s1k, Wv_ref[...], preferred_element_type=jnp.float32) + bv_ref[0]
    ktab_ref[0] = kt.astype(jnp.bfloat16)
    vtab_ref[0] = vt.astype(jnp.bfloat16)
    sm = jnp.mean(s_full_ref[0], axis=0, keepdims=True)
    smean_ref[0] = jnp.broadcast_to(sm, (8, _IN))


def _main_kernel(qf_ref, ktab_ref, vtab_ref, smean_ref, spl_ref,
                 Wq_ref, bq_ref, Wdp_ref, bdp_ref, Wp_ref, bp_ref, out_ref):
    qf = qf_ref[0]
    q = (jnp.dot(qf, Wq_ref[...], preferred_element_type=jnp.float32)
         + bq_ref[0]).astype(jnp.bfloat16)

    sm = jnp.broadcast_to(smean_ref[0, 0:1, :], (_QB, _IN))
    qs = jnp.concatenate([qf, sm], axis=1)
    ld = jnp.dot(qs, Wdp_ref[...], preferred_element_type=jnp.float32) + bdp_ref[0]
    delta = jax.nn.sigmoid(ld)
    d0 = delta[:, : _H * _P]
    d1 = delta[:, _H * _P:]
    spl = spl_ref[:, 0:1]
    spl_sq = spl_ref[:, 1:2]
    idx = (d1 * spl + d0 * spl_sq).astype(jnp.int32)

    idx16 = idx.astype(jnp.int16)
    iota_t = jax.lax.broadcasted_iota(jnp.int16, (_QB, _TAB), 1)
    ones_t = jnp.ones((_TAB, 1), jnp.bfloat16)
    zero_b = jnp.zeros((), jnp.bfloat16)
    outs = []
    for h in range(_H):
        qh = q[:, h * _HD:(h + 1) * _HD]
        kh = ktab_ref[0][:, h * _HD:(h + 1) * _HD]
        vh = vtab_ref[0][:, h * _HD:(h + 1) * _HD]
        S = jax.lax.dot_general(qh, kh, (((1,), (1,)), ((), ())),
                                preferred_element_type=jnp.float32
                                ).astype(jnp.bfloat16)
        cs = [iota_t == idx16[:, h * _P + p:h * _P + p + 1] for p in range(_P)]
        sv = [jnp.dot(jnp.where(c, S, zero_b), ones_t,
                      preferred_element_type=jnp.float32) for c in cs]
        mx = jnp.maximum(jnp.maximum(sv[0], sv[1]), sv[2])
        ex = [jnp.exp(s - mx) for s in sv]
        den = ex[0] + ex[1] + ex[2]
        a = [(e_ / den).astype(jnp.bfloat16) for e_ in ex]
        W = (jnp.where(cs[0], a[0], zero_b) + jnp.where(cs[1], a[1], zero_b)
             + jnp.where(cs[2], a[2], zero_b))
        outs.append(jnp.dot(W, vh, preferred_element_type=jnp.float32))
    att = jnp.concatenate(outs, axis=1)
    out_ref[0, 0] = jnp.dot(att, Wp_ref[...], preferred_element_type=jnp.float32) + bp_ref[0]


def kernel(q_feat, s_feat, q_shapes, s_shapes, Wq, bq, Wk, bk, Wv, bv, Wd, bd, Wp, bp):
    B, NQ, _ = q_feat.shape
    M, NS, _ = s_feat.shape
    nb = pl.cdiv(NQ, _QB)

    q_sq = q_shapes.astype(jnp.int32) ** 2
    s_lv = s_shapes.astype(jnp.int32)
    spl = jnp.repeat(s_lv, q_sq, total_repeat_length=NQ).astype(jnp.float32)
    spl_sq = jnp.repeat(s_lv ** 2, q_sq, total_repeat_length=NQ).astype(jnp.float32)
    spl2 = jnp.stack([spl, spl_sq], axis=1)

    Wdp = jnp.concatenate([Wd[:, 0::2], Wd[:, 1::2]], axis=1)
    bdp = jnp.concatenate([bd[0::2], bd[1::2]]).reshape(1, -1)
    bq2 = bq.reshape(1, -1)
    bk2 = bk.reshape(1, -1)
    bv2 = bv.reshape(1, -1)
    bp2 = bp.reshape(1, -1)

    ktab, vtab, smean = pl.pallas_call(
        _tables_kernel,
        grid=(M,),
        in_specs=[
            pl.BlockSpec((1, NS, _IN), lambda m: (m, 0, 0)),
            pl.BlockSpec((1, _TAB, _IN), lambda m: (m, 0, 0)),
            pl.BlockSpec((_IN, _OUT), lambda m: (0, 0)),
            pl.BlockSpec((1, _OUT), lambda m: (0, 0)),
            pl.BlockSpec((_IN, _OUT), lambda m: (0, 0)),
            pl.BlockSpec((1, _OUT), lambda m: (0, 0)),
        ],
        out_specs=[
            pl.BlockSpec((1, _TAB, _OUT), lambda m: (m, 0, 0)),
            pl.BlockSpec((1, _TAB, _OUT), lambda m: (m, 0, 0)),
            pl.BlockSpec((1, 8, _IN), lambda m: (m, 0, 0)),
        ],
        out_shape=[
            jax.ShapeDtypeStruct((M, _TAB, _OUT), jnp.bfloat16),
            jax.ShapeDtypeStruct((M, _TAB, _OUT), jnp.bfloat16),
            jax.ShapeDtypeStruct((M, 8, _IN), jnp.float32),
        ],
    )(s_feat, s_feat[:, :_TAB, :], Wk, bk2, Wv, bv2)

    out = pl.pallas_call(
        _main_kernel,
        grid=(B, M, nb),
        in_specs=[
            pl.BlockSpec((1, _QB, _IN), lambda b, m, i: (b, i, 0)),
            pl.BlockSpec((1, _TAB, _OUT), lambda b, m, i: (m, 0, 0)),
            pl.BlockSpec((1, _TAB, _OUT), lambda b, m, i: (m, 0, 0)),
            pl.BlockSpec((1, 8, _IN), lambda b, m, i: (m, 0, 0)),
            pl.BlockSpec((_QB, 2), lambda b, m, i: (i, 0)),
            pl.BlockSpec((_IN, _OUT), lambda b, m, i: (0, 0)),
            pl.BlockSpec((1, _OUT), lambda b, m, i: (0, 0)),
            pl.BlockSpec((2 * _IN, 2 * _H * _P), lambda b, m, i: (0, 0)),
            pl.BlockSpec((1, 2 * _H * _P), lambda b, m, i: (0, 0)),
            pl.BlockSpec((_OUT, _OUT), lambda b, m, i: (0, 0)),
            pl.BlockSpec((1, _OUT), lambda b, m, i: (0, 0)),
        ],
        out_specs=pl.BlockSpec((1, 1, _QB, _OUT), lambda b, m, i: (b, m, i, 0)),
        out_shape=jax.ShapeDtypeStruct((B, M, NQ, _OUT), jnp.float32),
    )(q_feat, ktab, vtab, smean, spl2, Wq, bq2, Wdp, bdp, Wp, bp2)

    return out

# --- scband reference (transcript-rebuilt; emitter-appended) ---
"""Pipeline reference for scband-deformable-qsa-32615981646079 (READ-ONLY COPY).

The authoritative reference and input builder live on the scoring server;
editing this copy changes nothing except your own understanding.
"""

import jax, jax.numpy as jnp
import numpy as np

IN_DIM = 256
OUT_DIM = 256
N_PTS = 3
N_HEADS = 4
B, M, NQ, NS, L = 2, 2, 10416, 10416, 32


def _linear_params(key, fan_in, fan_out):
    W = jax.random.normal(key, (fan_in, fan_out), jnp.float32) * 0.02
    b = jnp.zeros((fan_out,), jnp.float32)
    return W, b


def setup_inputs(seed: int = 0):
    key = jax.random.key(seed)
    ks = jax.random.split(key, 8)
    q_feat = jax.random.normal(ks[0], (B, NQ, IN_DIM), jnp.float32)
    s_feat = jax.random.normal(ks[1], (M, NS, IN_DIM), jnp.float32)
    # multi-scale pyramid: level sizes 0..31, sum of squares = 10416 = NQ
    q_shapes = jnp.arange(L, dtype=jnp.int32)
    s_shapes = jnp.arange(L, dtype=jnp.int32)
    Wq, bq = _linear_params(ks[2], IN_DIM, OUT_DIM)
    Wk, bk = _linear_params(ks[3], IN_DIM, OUT_DIM)
    Wv, bv = _linear_params(ks[4], IN_DIM, OUT_DIM)
    Wd, bd = _linear_params(ks[5], 2 * IN_DIM, 2 * N_PTS * N_HEADS)
    Wp, bp = _linear_params(ks[6], OUT_DIM, OUT_DIM)
    return {"q_feat": q_feat, "s_feat": s_feat, "q_shapes": q_shapes, "s_shapes": s_shapes,
            "Wq": Wq, "bq": bq, "Wk": Wk, "bk": bk, "Wv": Wv, "bv": bv,
            "Wd": Wd, "bd": bd, "Wp": Wp, "bp": bp}


def reference(q_feat, s_feat, q_shapes, s_shapes, Wq, bq, Wk, bk, Wv, bv, Wd, bd, Wp, bp):
    Bq, Nq, _ = q_feat.shape
    Ms, Ns, _ = s_feat.shape
    C = OUT_DIM
    H = N_HEADS
    c = C // H
    P = N_PTS
    q = (q_feat @ Wq + bq).reshape(Bq, Nq, H, c).transpose(0, 2, 1, 3)
    k = (s_feat @ Wk + bk).reshape(Ms, Ns, H, c).transpose(0, 2, 1, 3)
    v = (s_feat @ Wv + bv).reshape(Ms, Ns, H, c).transpose(0, 2, 1, 3)
    q_rep = jnp.broadcast_to(q_feat[:, None], (Bq, Ms, Nq, q_feat.shape[-1]))
    s_vec = jnp.broadcast_to(s_feat.mean(axis=1)[None, :, None, :], (Bq, Ms, Nq, s_feat.shape[-1]))
    qs = jnp.concatenate([q_rep, s_vec], axis=-1)
    delta = jax.nn.sigmoid(qs @ Wd + bd)
    delta = delta.reshape(Bq, Ms, Nq, H, P, 2).transpose(0, 1, 3, 2, 4, 5)
    q_sq = q_shapes.astype(jnp.int32) ** 2
    s_sq = s_shapes.astype(jnp.int32) ** 2
    spl = jnp.repeat(s_shapes.astype(jnp.int32), q_sq, total_repeat_length=Nq).reshape(1, 1, 1, -1, 1).astype(jnp.float32)
    spl_sq = jnp.repeat(s_sq, q_sq, total_repeat_length=Nq).reshape(1, 1, 1, -1, 1).astype(jnp.float32)
    idx = (delta[..., 1] * spl + delta[..., 0] * spl_sq).astype(jnp.int32)
    idx = idx.reshape(Bq, Ms, H, Nq * P)
    kb = jnp.broadcast_to(k[None], (Bq, Ms, H, Ns, c))
    vb = jnp.broadcast_to(v[None], (Bq, Ms, H, Ns, c))
    kg = jnp.take_along_axis(kb, idx[..., None], axis=-2).reshape(Bq, Ms, H, Nq, P, c)
    vg = jnp.take_along_axis(vb, idx[..., None], axis=-2).reshape(Bq, Ms, H, Nq, P, c)
    qb = jnp.broadcast_to(q[:, None], (Bq, Ms, H, Nq, c))
    attn = jnp.einsum('bmhqc,bmhqpc->bmhqp', qb, kg)
    attn = jax.nn.softmax(attn, axis=-1)
    out = jnp.einsum('bmhqp,bmhqpc->bmhqc', attn, vg)
    out = out.transpose(0, 1, 3, 2, 4).reshape(Bq, Ms, Nq, C)
    out = out @ Wp + bp
    return out

if __name__ == "__main__":
    import jax
    _d = setup_inputs()
    print(jax.jit(kernel)(*tuple(_d.values())))

</pallas_src>

<mosaic_0001>
module attributes {stable_mosaic.version = 14 : i64} {
  func.func @_tables_kernel(%arg0: i32, %arg1: memref<1x10416x256xf32, #tpu.memory_space<vmem>>, %arg2: memref<1x1024x256xf32, #tpu.memory_space<vmem>>, %arg3: memref<256x256xf32, #tpu.memory_space<vmem>>, %arg4: memref<1x256xf32, #tpu.memory_space<vmem>>, %arg5: memref<256x256xf32, #tpu.memory_space<vmem>>, %arg6: memref<1x256xf32, #tpu.memory_space<vmem>>, %arg7: memref<1x1024x256xbf16, #tpu.memory_space<vmem>>, %arg8: memref<1x1024x256xbf16, #tpu.memory_space<vmem>>, %arg9: memref<1x8x256xf32, #tpu.memory_space<vmem>>) attributes {dimension_semantics = [#tpu.dimension_semantics<arbitrary>], iteration_bounds = array<i64: 2>, scalar_prefetch = 0 : i64, scratch_operands = 0 : i64, tpu.core_type = #tpu.core_type<tc>, window_params = [{transform_indices = @transform_0, window_bounds = array<i64: 1, 10416, 256>}, {transform_indices = @transform_1, window_bounds = array<i64: 1, 1024, 256>}, {pipeline_mode = #tpu.pipeline_mode<synchronous>, transform_indices = @transform_2, window_bounds = array<i64: 256, 256>}, {pipeline_mode = #tpu.pipeline_mode<synchronous>, transform_indices = @transform_3, window_bounds = array<i64: 1, 256>}, {pipeline_mode = #tpu.pipeline_mode<synchronous>, transform_indices = @transform_4, window_bounds = array<i64: 256, 256>}, {pipeline_mode = #tpu.pipeline_mode<synchronous>, transform_indices = @transform_5, window_bounds = array<i64: 1, 256>}, {transform_indices = @transform_6, window_bounds = array<i64: 1, 1024, 256>}, {transform_indices = @transform_7, window_bounds = array<i64: 1, 1024, 256>}, {transform_indices = @transform_8, window_bounds = array<i64: 1, 8, 256>}]} {
    %get3A = arith.constant 0 : index
    %get3A_0 = arith.constant 0 : index
    %get3A_1 = arith.constant 0 : index
    %get3A_2 = vector.load %arg2[%get3A, %get3A_0, %get3A_1] : memref<1x1024x256xf32, #tpu.memory_space<vmem>>, vector<1x1024x256xf32>
    %get3A_3 = vector.shape_cast %get3A_2 : vector<1x1024x256xf32> to vector<1024x256xf32>
    %get3A_4 = arith.constant 0 : index
    %get3A_5 = arith.constant 0 : index
    %get3A_6 = vector.load %arg3[%get3A_4, %get3A_5] : memref<256x256xf32, #tpu.memory_space<vmem>>, vector<256x256xf32>
    %dot_general3A = arith.constant dense<0.000000e+00> : vector<1024x256xf32>
    %dot_general3A_7 = tpu.matmul %get3A_3, %get3A_6, %dot_general3A {dimension_numbers = #tpu.dot_dimension_numbers<[1], [0], [0], [1], [0, 0, 1, 1], [], []>, transpose_lhs_hint = false} : vector<1024x256xf32>, vector<256x256xf32>, vector<1024x256xf32> -> vector<1024x256xf32>
    %get3A_8 = arith.constant 0 : index
    %get3A_9 = arith.constant 0 : index
    %get3A_10 = vector.load %arg4[%get3A_8, %get3A_9] : memref<1x256xf32, #tpu.memory_space<vmem>>, vector<1x256xf32>
    %get3A_11 = vector.shape_cast %get3A_10 : vector<1x256xf32> to vector<256xf32>
    %broadcast_in_dim3A = vector.shape_cast %get3A_11 : vector<256xf32> to vector<1x256xf32>
    %add3A = vector.broadcast %broadcast_in_dim3A : vector<1x256xf32> to vector<1024x256xf32>
    %add3A_12 = arith.addf %dot_general3A_7, %add3A : vector<1024x256xf32>
    %get3A_13 = arith.constant 0 : index
    %get3A_14 = arith.constant 0 : index
    %get3A_15 = vector.load %arg5[%get3A_13, %get3A_14] : memref<256x256xf32, #tpu.memory_space<vmem>>, vector<256x256xf32>
    %dot_general3A_16 = arith.constant dense<0.000000e+00> : vector<1024x256xf32>
    %dot_general3A_17 = tpu.matmul %get3A_3, %get3A_15, %dot_general3A_16 {dimension_numbers = #tpu.dot_dimension_numbers<[1], [0], [0], [1], [0, 0, 1, 1], [], []>, transpose_lhs_hint = false} : vector<1024x256xf32>, vector<256x256xf32>, vector<1024x256xf32> -> vector<1024x256xf32>
    %get3A_18 = arith.constant 0 : index
    %get3A_19 = arith.constant 0 : index
    %get3A_20 = vector.load %arg6[%get3A_18, %get3A_19] : memref<1x256xf32, #tpu.memory_space<vmem>>, vector<1x256xf32>
    %get3A_21 = vector.shape_cast %get3A_20 : vector<1x256xf32> to vector<256xf32>
    %broadcast_in_dim3A_22 = vector.shape_cast %get3A_21 : vector<256xf32> to vector<1x256xf32>
    %add3A_23 = vector.broadcast %broadcast_in_dim3A_22 : vector<1x256xf32> to vector<1024x256xf32>
    %add3A_24 = arith.addf %dot_general3A_17, %add3A_23 : vector<1024x256xf32>
    %convert_element_type3A = arith.truncf %add3A_12 : vector<1024x256xf32> to vector<1024x256xbf16>
    %swap3A = arith.constant 0 : index
    %swap3A_25 = arith.constant 0 : index
    %swap3A_26 = arith.constant 0 : index
    %swap3A_27 = vector.load %arg7[%swap3A, %swap3A_25, %swap3A_26] : memref<1x1024x256xbf16, #tpu.memory_space<vmem>>, vector<1x1024x256xbf16>
    %swap3A_28 = vector.shape_cast %swap3A_27 : vector<1x1024x256xbf16> to vector<1024x256xbf16>
    %swap3A_29 = vector.shape_cast %convert_element_type3A : vector<1024x256xbf16> to vector<1x1024x256xbf16>
    tpu.vector_store %arg7[%swap3A, %swap3A_25, %swap3A_26], %swap3A_29 {strides = array<i32>} : memref<1x1024x256xbf16, #tpu.memory_space<vmem>>, vector<1x1024x256xbf16>,
    %convert_element_type3A_30 = arith.truncf %add3A_24 : vector<1024x256xf32> to vector<1024x256xbf16>
    %swap3A_31 = arith.constant 0 : index
    %swap3A_32 = arith.constant 0 : index
    %swap3A_33 = arith.constant 0 : index
    %swap3A_34 = vector.load %arg8[%swap3A_31, %swap3A_32, %swap3A_33] : memref<1x1024x256xbf16, #tpu.memory_space<vmem>>, vector<1x1024x256xbf16>
    %swap3A_35 = vector.shape_cast %swap3A_34 : vector<1x1024x256xbf16> to vector<1024x256xbf16>
    %swap3A_36 = vector.shape_cast %convert_element_type3A_30 : vector<1024x256xbf16> to vector<1x1024x256xbf16>
    tpu.vector_store %arg8[%swap3A_31, %swap3A_32, %swap3A_33], %swap3A_36 {strides = array<i32>} : memref<1x1024x256xbf16, #tpu.memory_space<vmem>>, vector<1x1024x256xbf16>,
    %get3A_37 = arith.constant 0 : index
    %get3A_38 = arith.constant 0 : index
    %get3A_39 = arith.constant 0 : index
    %get3A_40 = vector.load %arg1[%get3A_37, %get3A_38, %get3A_39] : memref<1x10416x256xf32, #tpu.memory_space<vmem>>, vector<1x10416x256xf32>
    %get3A_41 = vector.shape_cast %get3A_40 : vector<1x10416x256xf32> to vector<10416x256xf32>
    %reduce_sum3A = arith.constant dense<0.000000e+00> : vector<256xf32>
    %reduce_sum3A_42 = vector.multi_reduction <add>, %get3A_41, %reduce_sum3A [0] : vector<10416x256xf32> to vector<256xf32>
    %broadcast_in_dim3A_43 = vector.shape_cast %reduce_sum3A_42 : vector<256xf32> to vector<1x256xf32>
    %div3A = arith.constant 1.041600e+04 : f32
    %div3A_44 = vector.broadcast %div3A : f32 to vector<1x256xf32>
    %div3A_45 = arith.divf %broadcast_in_dim3A_43, %div3A_44 : vector<1x256xf32>
    %broadcast_in_dim3A_46 = vector.shape_cast %div3A_45 : vector<1x256xf32> to vector<1x256xf32>
    %broadcast_in_dim3A_47 = vector.broadcast %broadcast_in_dim3A_46 : vector<1x256xf32> to vector<8x256xf32>
    %swap3A_48 = arith.constant 0 : index
    %swap3A_49 = arith.constant 0 : index
    %swap3A_50 = arith.constant 0 : index
    %swap3A_51 = vector.load %arg9[%swap3A_48, %swap3A_49, %swap3A_50] : memref<1x8x256xf32, #tpu.memory_space<vmem>>, vector<1x8x256xf32>
    %swap3A_52 = vector.shape_cast %swap3A_51 : vector<1x8x256xf32> to vector<8x256xf32>
    %swap3A_53 = vector.shape_cast %broadcast_in_dim3A_47 : vector<8x256xf32> to vector<1x8x256xf32>
    tpu.vector_store %arg9[%swap3A_48, %swap3A_49, %swap3A_50], %swap3A_53 {strides = array<i32>} : memref<1x8x256xf32, #tpu.memory_space<vmem>>, vector<1x8x256xf32>,
    return
  }
  func.func @transform_0(%arg0: i32) -> (i32, i32, i32) {
    %c0_i32 = arith.constant 0 : i32
    %c0_i32_0 = arith.constant 0 : i32
    %c0_i32_1 = arith.constant 0 : i32
    return %arg0, %c0_i32, %c0_i32_0 : i32, i32, i32
  }
  func.func @transform_1(%arg0: i32) -> (i32, i32, i32) {
    %c0_i32 = arith.constant 0 : i32
    %c0_i32_0 = arith.constant 0 : i32
    %c0_i32_1 = arith.constant 0 : i32
    return %arg0, %c0_i32, %c0_i32_0 : i32, i32, i32
  }
  func.func @transform_2(%arg0: i32) -> (i32, i32) {
    %c0_i32 = arith.constant 0 : i32
    %c0_i32_0 = arith.constant 0 : i32
    %c0_i32_1 = arith.constant 0 : i32
    return %c0_i32, %c0_i32_0 : i32, i32
  }
  func.func @transform_3(%arg0: i32) -> (i32, i32) {
    %c0_i32 = arith.constant 0 : i32
    %c0_i32_0 = arith.constant 0 : i32
    %c0_i32_1 = arith.constant 0 : i32
    return %c0_i32, %c0_i32_0 : i32, i32
  }
  func.func @transform_4(%arg0: i32) -> (i32, i32) {
    %c0_i32 = arith.constant 0 : i32
    %c0_i32_0 = arith.constant 0 : i32
    %c0_i32_1 = arith.constant 0 : i32
    return %c0_i32, %c0_i32_0 : i32, i32
  }
  func.func @transform_5(%arg0: i32) -> (i32, i32) {
    %c0_i32 = arith.constant 0 : i32
    %c0_i32_0 = arith.constant 0 : i32
    %c0_i32_1 = arith.constant 0 : i32
    return %c0_i32, %c0_i32_0 : i32, i32
  }
  func.func @transform_6(%arg0: i32) -> (i32, i32, i32) {
    %c0_i32 = arith.constant 0 : i32
    %c0_i32_0 = arith.constant 0 : i32
    %c0_i32_1 = arith.constant 0 : i32
    return %arg0, %c0_i32, %c0_i32_0 : i32, i32, i32
  }
  func.func @transform_7(%arg0: i32) -> (i32, i32, i32) {
    %c0_i32 = arith.constant 0 : i32
    %c0_i32_0 = arith.constant 0 : i32
    %c0_i32_1 = arith.constant 0 : i32
    return %arg0, %c0_i32, %c0_i32_0 : i32, i32, i32
  }
  func.func @transform_8(%arg0: i32) -> (i32, i32, i32) {
    %c0_i32 = arith.constant 0 : i32
    %c0_i32_0 = arith.constant 0 : i32
    %c0_i32_1 = arith.constant 0 : i32
    return %arg0, %c0_i32, %c0_i32_0 : i32, i32, i32
  }
}

module attributes {stable_mosaic.version = 14 : i64} {
  func.func @_main_kernel(%arg0: i32, %arg1: i32, %arg2: i32, %arg3: memref<1x1736x256xf32, #tpu.memory_space<vmem>>, %arg4: memref<1x1024x256xbf16, #tpu.memory_space<vmem>>, %arg5: memref<1x1024x256xbf16, #tpu.memory_space<vmem>>, %arg6: memref<1x8x256xf32, #tpu.memory_space<vmem>>, %arg7: memref<1736x2xf32, #tpu.memory_space<vmem>>, %arg8: memref<256x256xf32, #tpu.memory_space<vmem>>, %arg9: memref<1x256xf32, #tpu.memory_space<vmem>>, %arg10: memref<512x24xf32, #tpu.memory_space<vmem>>, %arg11: memref<1x24xf32, #tpu.memory_space<vmem>>, %arg12: memref<256x256xf32, #tpu.memory_space<vmem>>, %arg13: memref<1x256xf32, #tpu.memory_space<vmem>>, %arg14: memref<1x1x1736x256xf32, #tpu.memory_space<vmem>>) attributes {dimension_semantics = [#tpu.dimension_semantics<arbitrary>, #tpu.dimension_semantics<arbitrary>, #tpu.dimension_semantics<arbitrary>], iteration_bounds = array<i64: 2, 2, 6>, scalar_prefetch = 0 : i64, scratch_operands = 0 : i64, tpu.core_type = #tpu.core_type<tc>, window_params = [{transform_indices = @transform_0, window_bounds = array<i64: 1, 1736, 256>}, {transform_indices = @transform_1, window_bounds = array<i64: 1, 1024, 256>}, {transform_indices = @transform_2, window_bounds = array<i64: 1, 1024, 256>}, {transform_indices = @transform_3, window_bounds = array<i64: 1, 8, 256>}, {transform_indices = @transform_4, window_bounds = array<i64: 1736, 2>}, {pipeline_mode = #tpu.pipeline_mode<synchronous>, transform_indices = @transform_5, window_bounds = array<i64: 256, 256>}, {pipeline_mode = #tpu.pipeline_mode<synchronous>, transform_indices = @transform_6, window_bounds = array<i64: 1, 256>}, {pipeline_mode = #tpu.pipeline_mode<synchronous>, transform_indices = @transform_7, window_bounds = array<i64: 512, 24>}, {pipeline_mode = #tpu.pipeline_mode<synchronous>, transform_indices = @transform_8, window_bounds = array<i64: 1, 24>}, {pipeline_mode = #tpu.pipeline_mode<synchronous>, transform_indices = @transform_9, window_bounds = array<i64: 256, 256>}, {pipeline_mode = #tpu.pipeline_mode<synchronous>, transform_indices = @transform_10, window_bounds = array<i64: 1, 256>}, {transform_indices = @transform_11, window_bounds = array<i64: 1, 1, 1736, 256>}]} {
    %get3A = arith.constant 0 : index
    %get3A_0 = arith.constant 0 : index
    %get3A_1 = arith.constant 0 : index
    %get3A_2 = vector.load %arg3[%get3A, %get3A_0, %get3A_1] : memref<1x1736x256xf32, #tpu.memory_space<vmem>>, vector<1x1736x256xf32>
    %get3A_3 = vector.shape_cast %get3A_2 : vector<1x1736x256xf32> to vector<1736x256xf32>
    %get3A_4 = arith.constant 0 : index
    %get3A_5 = arith.constant 0 : index
    %get3A_6 = vector.load %arg8[%get3A_4, %get3A_5] : memref<256x256xf32, #tpu.memory_space<vmem>>, vector<256x256xf32>
    %dot_general3A = arith.constant dense<0.000000e+00> : vector<1736x256xf32>
    %dot_general3A_7 = tpu.matmul %get3A_3, %get3A_6, %dot_general3A {dimension_numbers = #tpu.dot_dimension_numbers<[1], [0], [0], [1], [0, 0, 1, 1], [], []>, transpose_lhs_hint = false} : vector<1736x256xf32>, vector<256x256xf32>, vector<1736x256xf32> -> vector<1736x256xf32>
    %get3A_8 = arith.constant 0 : index
    %get3A_9 = arith.constant 0 : index
    %get3A_10 = vector.load %arg9[%get3A_8, %get3A_9] : memref<1x256xf32, #tpu.memory_space<vmem>>, vector<1x256xf32>
    %get3A_11 = vector.shape_cast %get3A_10 : vector<1x256xf32> to vector<256xf32>
    %broadcast_in_dim3A = vector.shape_cast %get3A_11 : vector<256xf32> to vector<1x256xf32>
    %add3A = vector.broadcast %broadcast_in_dim3A : vector<1x256xf32> to vector<1736x256xf32>
    %add3A_12 = arith.addf %dot_general3A_7, %add3A : vector<1736x256xf32>
    %convert_element_type3A = arith.truncf %add3A_12 : vector<1736x256xf32> to vector<1736x256xbf16>
    %get3A_13 = arith.constant 0 : index
    %get3A_14 = arith.constant 0 : index
    %get3A_15 = arith.constant 0 : index
    %get3A_16 = vector.load %arg6[%get3A_13, %get3A_14, %get3A_15] : memref<1x8x256xf32, #tpu.memory_space<vmem>>, vector<1x1x256xf32>
    %get3A_17 = vector.shape_cast %get3A_16 : vector<1x1x256xf32> to vector<1x256xf32>
    %broadcast_in_dim3A_18 = vector.shape_cast %get3A_17 : vector<1x256xf32> to vector<1x256xf32>
    %broadcast_in_dim3A_19 = vector.broadcast %broadcast_in_dim3A_18 : vector<1x256xf32> to vector<1736x256xf32>
    %concatenate3A = tpu.concatenate %get3A_3, %broadcast_in_dim3A_19 in 1 : vector<1736x256xf32>, vector<1736x256xf32> -> vector<1736x512xf32>
    %get3A_20 = arith.constant 0 : index
    %get3A_21 = arith.constant 0 : index
    %get3A_22 = vector.load %arg10[%get3A_20, %get3A_21] : memref<512x24xf32, #tpu.memory_space<vmem>>, vector<512x24xf32>
    %dot_general3A_23 = arith.constant dense<0.000000e+00> : vector<1736x24xf32>
    %dot_general3A_24 = tpu.matmul %concatenate3A, %get3A_22, %dot_general3A_23 {dimension_numbers = #tpu.dot_dimension_numbers<[1], [0], [0], [1], [0, 0, 1, 1], [], []>, transpose_lhs_hint = false} : vector<1736x512xf32>, vector<512x24xf32>, vector<1736x24xf32> -> vector<1736x24xf32>
    %get3A_25 = arith.constant 0 : index
    %get3A_26 = arith.constant 0 : index
    %get3A_27 = vector.load %arg11[%get3A_25, %get3A_26] : memref<1x24xf32, #tpu.memory_space<vmem>>, vector<1x24xf32>
    %get3A_28 = vector.shape_cast %get3A_27 : vector<1x24xf32> to vector<24xf32>
    %broadcast_in_dim3A_29 = vector.shape_cast %get3A_28 : vector<24xf32> to vector<1x24xf32>
    %add3A_30 = vector.broadcast %broadcast_in_dim3A_29 : vector<1x24xf32> to vector<1736x24xf32>
    %add3A_31 = arith.addf %dot_general3A_24, %add3A_30 : vector<1736x24xf32>
    %logistic3A = arith.negf %add3A_31 : vector<1736x24xf32>
    %logistic3A_32 = math.exp %logistic3A : vector<1736x24xf32>
    %logistic3A_33 = arith.constant 1.000000e+00 : f32
    %logistic3A_34 = vector.broadcast %logistic3A_33 : f32 to vector<1736x24xf32>
    %logistic3A_35 = arith.addf %logistic3A_34, %logistic3A_32 : vector<1736x24xf32>
    %logistic3A_36 = arith.divf %logistic3A_34, %logistic3A_35 : vector<1736x24xf32>
    %slice3A = vector.extract_strided_slice %logistic3A_36 {offsets = [0, 0], sizes = [1736, 12], strides = [1, 1]} : vector<1736x24xf32> to vector<1736x12xf32>
    %slice3A_37 = vector.extract_strided_slice %logistic3A_36 {offsets = [0, 12], sizes = [1736, 12], strides = [1, 1]} : vector<1736x24xf32> to vector<1736x12xf32>
    %get3A_38 = arith.constant 0 : index
    %get3A_39 = arith.constant 0 : index
    %get3A_40 = vector.load %arg7[%get3A_38, %get3A_39] : memref<1736x2xf32, #tpu.memory_space<vmem>>, vector<1736x1xf32>
    %get3A_41 = arith.constant 0 : index
    %get3A_42 = arith.constant 1 : index
    %get3A_43 = vector.load %arg7[%get3A_41, %get3A_42] : memref<1736x2xf32, #tpu.memory_space<vmem>>, vector<1736x1xf32>
    %mul3A = vector.broadcast %get3A_40 : vector<1736x1xf32> to vector<1736x12xf32>
    %mul3A_44 = arith.mulf %slice3A_37, %mul3A : vector<1736x12xf32>
    %mul3A_45 = vector.broadcast %get3A_43 : vector<1736x1xf32> to vector<1736x12xf32>
    %mul3A_46 = arith.mulf %slice3A, %mul3A_45 : vector<1736x12xf32>
    %add3A_47 = arith.addf %mul3A_44, %mul3A_46 : vector<1736x12xf32>
    %convert_element_type3A_48 = arith.fptosi %add3A_47 : vector<1736x12xf32> to vector<1736x12xi32>
    %convert_element_type3A_49 = arith.trunci %convert_element_type3A_48 : vector<1736x12xi32> to vector<1736x12xi16>
    %iota3A = tpu.iota {dimensions = array<i32: 1>} : vector<1736x1024xi16>
    %broadcast_in_dim3A_50 = arith.constant 1.000000e+00 : bf16
    %broadcast_in_dim3A_51 = vector.broadcast %broadcast_in_dim3A_50 : bf16 to vector<1024x1xbf16>
    %slice3A_52 = vector.extract_strided_slice %convert_element_type3A {offsets = [0, 0], sizes = [1736, 64], strides = [1, 1]} : vector<1736x256xbf16> to vector<1736x64xbf16>
    %get3A_53 = arith.constant 0 : index
    %get3A_54 = arith.constant 0 : index
    %get3A_55 = arith.constant 0 : index
    %get3A_56 = vector.load %arg4[%get3A_53, %get3A_54, %get3A_55] : memref<1x1024x256xbf16, #tpu.memory_space<vmem>>, vector<1x1024x256xbf16>
    %get3A_57 = vector.shape_cast %get3A_56 : vector<1x1024x256xbf16> to vector<1024x256xbf16>
    %slice3A_58 = vector.extract_strided_slice %get3A_57 {offsets = [0, 0], sizes = [1024, 64], strides = [1, 1]} : vector<1024x256xbf16> to vector<1024x64xbf16>
    %get3A_59 = arith.constant 0 : index
    %get3A_60 = arith.constant 0 : index
    %get3A_61 = arith.constant 0 : index
    %get3A_62 = vector.load %arg5[%get3A_59, %get3A_60, %get3A_61] : memref<1x1024x256xbf16, #tpu.memory_space<vmem>>, vector<1x1024x256xbf16>
    %get3A_63 = vector.shape_cast %get3A_62 : vector<1x1024x256xbf16> to vector<1024x256xbf16>
    %slice3A_64 = vector.extract_strided_slice %get3A_63 {offsets = [0, 0], sizes = [1024, 64], strides = [1, 1]} : vector<1024x256xbf16> to vector<1024x64xbf16>
    %dot_general3A_65 = arith.constant dense<0.000000e+00> : vector<1736x1024xf32>
    %dot_general3A_66 = tpu.matmul %slice3A_52, %slice3A_58, %dot_general3A_65 {dimension_numbers = #tpu.dot_dimension_numbers<[1], [1], [0], [0], [0, 0, 1, 0], [], []>, transpose_lhs_hint = false} : vector<1736x64xbf16>, vector<1024x64xbf16>, vector<1736x1024xf32> -> vector<1736x1024xf32>
    %convert_element_type3A_67 = arith.truncf %dot_general3A_66 : vector<1736x1024xf32> to vector<1736x1024xbf16>
    %slice3A_68 = vector.extract_strided_slice %convert_element_type3A_49 {offsets = [0, 0], sizes = [1736, 1], strides = [1, 1]} : vector<1736x12xi16> to vector<1736x1xi16>
    %eq3A = vector.broadcast %slice3A_68 : vector<1736x1xi16> to vector<1736x1024xi16>
    %eq3A_69 = arith.cmpi eq, %iota3A, %eq3A : vector<1736x1024xi16>
    %slice3A_70 = vector.extract_strided_slice %convert_element_type3A_49 {offsets = [0, 1], sizes = [1736, 1], strides = [1, 1]} : vector<1736x12xi16> to vector<1736x1xi16>
    %eq3A_71 = vector.broadcast %slice3A_70 : vector<1736x1xi16> to vector<1736x1024xi16>
    %eq3A_72 = arith.cmpi eq, %iota3A, %eq3A_71 : vector<1736x1024xi16>
    %slice3A_73 = vector.extract_strided_slice %convert_element_type3A_49 {offsets = [0, 2], sizes = [1736, 1], strides = [1, 1]} : vector<1736x12xi16> to vector<1736x1xi16>
    %eq3A_74 = vector.broadcast %slice3A_73 : vector<1736x1xi16> to vector<1736x1024xi16>
    %eq3A_75 = arith.cmpi eq, %iota3A, %eq3A_74 : vector<1736x1024xi16>
    %jit3A = arith.constant 0.000000e+00 : bf16
    %broadcast_in_dim3A_76 = vector.broadcast %jit3A : bf16 to vector<1736x1024xbf16>
    %select_n3A = arith.select %eq3A_69, %convert_element_type3A_67, %broadcast_in_dim3A_76 : vector<1736x1024xi1>, vector<1736x1024xbf16>
    %dot_general3A_77 = arith.constant dense<0.000000e+00> : vector<1736x1xf32>
    %dot_general3A_78 = tpu.matmul %select_n3A, %broadcast_in_dim3A_51, %dot_general3A_77 {dimension_numbers = #tpu.dot_dimension_numbers<[1], [0], [0], [1], [0, 0, 1, 1], [], []>, transpose_lhs_hint = false} : vector<1736x1024xbf16>, vector<1024x1xbf16>, vector<1736x1xf32> -> vector<1736x1xf32>
    %jit3A_79 = arith.constant 0.000000e+00 : bf16
    %broadcast_in_dim3A_80 = vector.broadcast %jit3A_79 : bf16 to vector<1736x1024xbf16>
    %select_n3A_81 = arith.select %eq3A_72, %convert_element_type3A_67, %broadcast_in_dim3A_80 : vector<1736x1024xi1>, vector<1736x1024xbf16>
    %dot_general3A_82 = arith.constant dense<0.000000e+00> : vector<1736x1xf32>
    %dot_general3A_83 = tpu.matmul %select_n3A_81, %broadcast_in_dim3A_51, %dot_general3A_82 {dimension_numbers = #tpu.dot_dimension_numbers<[1], [0], [0], [1], [0, 0, 1, 1], [], []>, transpose_lhs_hint = false} : vector<1736x1024xbf16>, vector<1024x1xbf16>, vector<1736x1xf32> -> vector<1736x1xf32>
    %jit3A_84 = arith.constant 0.000000e+00 : bf16
    %broadcast_in_dim3A_85 = vector.broadcast %jit3A_84 : bf16 to vector<1736x1024xbf16>
    %select_n3A_86 = arith.select %eq3A_75, %convert_element_type3A_67, %broadcast_in_dim3A_85 : vector<1736x1024xi1>, vector<1736x1024xbf16>
    %dot_general3A_87 = arith.constant dense<0.000000e+00> : vector<1736x1xf32>
    %dot_general3A_88 = tpu.matmul %select_n3A_86, %broadcast_in_dim3A_51, %dot_general3A_87 {dimension_numbers = #tpu.dot_dimension_numbers<[1], [0], [0], [1], [0, 0, 1, 1], [], []>, transpose_lhs_hint = false} : vector<1736x1024xbf16>, vector<1024x1xbf16>, vector<1736x1xf32> -> vector<1736x1xf32>
    %max3A = arith.maximumf %dot_general3A_78, %dot_general3A_83 : vector<1736x1xf32>
    %max3A_89 = arith.maximumf %max3A, %dot_general3A_88 : vector<1736x1xf32>
    %sub3A = arith.subf %dot_general3A_78, %max3A_89 : vector<1736x1xf32>
    %exp3A = math.exp %sub3A : vector<1736x1xf32>
    %sub3A_90 = arith.subf %dot_general3A_83, %max3A_89 : vector<1736x1xf32>
    %exp3A_91 = math.exp %sub3A_90 : vector<1736x1xf32>
    %sub3A_92 = arith.subf %dot_general3A_88, %max3A_89 : vector<1736x1xf32>
    %exp3A_93 = math.exp %sub3A_92 : vector<1736x1xf32>
    %add3A_94 = arith.addf %exp3A, %exp3A_91 : vector<1736x1xf32>
    %add3A_95 = arith.addf %add3A_94, %exp3A_93 : vector<1736x1xf32>
    %div3A = arith.divf %exp3A, %add3A_95 : vector<1736x1xf32>
    %convert_element_type3A_96 = arith.truncf %div3A : vector<1736x1xf32> to vector<1736x1xbf16>
    %div3A_97 = arith.divf %exp3A_91, %add3A_95 : vector<1736x1xf32>
    %convert_element_type3A_98 = arith.truncf %div3A_97 : vector<1736x1xf32> to vector<1736x1xbf16>
    %div3A_99 = arith.divf %exp3A_93, %add3A_95 : vector<1736x1xf32>
    %convert_element_type3A_100 = arith.truncf %div3A_99 : vector<1736x1xf32> to vector<1736x1xbf16>
    %jit3A_101 = arith.constant 0.000000e+00 : bf16
    %broadcast_in_dim3A_102 = vector.shape_cast %convert_element_type3A_96 : vector<1736x1xbf16> to vector<1736x1xbf16>
    %broadcast_in_dim3A_103 = vector.broadcast %broadcast_in_dim3A_102 : vector<1736x1xbf16> to vector<1736x1024xbf16>
    %broadcast_in_dim3A_104 = vector.broadcast %jit3A_101 : bf16 to vector<1736x1024xbf16>
    %select_n3A_105 = arith.select %eq3A_69, %broadcast_in_dim3A_103, %broadcast_in_dim3A_104 : vector<1736x1024xi1>, vector<1736x1024xbf16>
    %jit3A_106 = arith.constant 0.000000e+00 : bf16
    %broadcast_in_dim3A_107 = vector.shape_cast %convert_element_type3A_98 : vector<1736x1xbf16> to vector<1736x1xbf16>
    %broadcast_in_dim3A_108 = vector.broadcast %broadcast_in_dim3A_107 : vector<1736x1xbf16> to vector<1736x1024xbf16>
    %broadcast_in_dim3A_109 = vector.broadcast %jit3A_106 : bf16 to vector<1736x1024xbf16>
    %select_n3A_110 = arith.select %eq3A_72, %broadcast_in_dim3A_108, %broadcast_in_dim3A_109 : vector<1736x1024xi1>, vector<1736x1024xbf16>
    %add3A_111 = arith.addf %select_n3A_105, %select_n3A_110 : vector<1736x1024xbf16>
    %jit3A_112 = arith.constant 0.000000e+00 : bf16
    %broadcast_in_dim3A_113 = vector.shape_cast %convert_element_type3A_100 : vector<1736x1xbf16> to vector<1736x1xbf16>
    %broadcast_in_dim3A_114 = vector.broadcast %broadcast_in_dim3A_113 : vector<1736x1xbf16> to vector<1736x1024xbf16>
    %broadcast_in_dim3A_115 = vector.broadcast %jit3A_112 : bf16 to vector<1736x1024xbf16>
    %select_n3A_116 = arith.select %eq3A_75, %broadcast_in_dim3A_114, %broadcast_in_dim3A_115 : vector<1736x1024xi1>, vector<1736x1024xbf16>
    %add3A_117 = arith.addf %add3A_111, %select_n3A_116 : vector<1736x1024xbf16>
    %dot_general3A_118 = arith.constant dense<0.000000e+00> : vector<1736x64xf32>
    %dot_general3A_119 = tpu.matmul %add3A_117, %slice3A_64, %dot_general3A_118 {dimension_numbers = #tpu.dot_dimension_numbers<[1], [0], [0], [1], [0, 0, 1, 1], [], []>, transpose_lhs_hint = false} : vector<1736x1024xbf16>, vector<1024x64xbf16>, vector<1736x64xf32> -> vector<1736x64xf32>
    %slice3A_120 = vector.extract_strided_slice %convert_element_type3A {offsets = [0, 64], sizes = [1736, 64], strides = [1, 1]} : vector<1736x256xbf16> to vector<1736x64xbf16>
    %get3A_121 = arith.constant 0 : index
    %get3A_122 = arith.constant 0 : index
    %get3A_123 = arith.constant 0 : index
    %get3A_124 = vector.load %arg4[%get3A_121, %get3A_122, %get3A_123] : memref<1x1024x256xbf16, #tpu.memory_space<vmem>>, vector<1x1024x256xbf16>
    %get3A_125 = vector.shape_cast %get3A_124 : vector<1x1024x256xbf16> to vector<1024x256xbf16>
    %slice3A_126 = vector.extract_strided_slice %get3A_125 {offsets = [0, 64], sizes = [1024, 64], strides = [1, 1]} : vector<1024x256xbf16> to vector<1024x64xbf16>
    %get3A_127 = arith.constant 0 : index
    %get3A_128 = arith.constant 0 : index
    %get3A_129 = arith.constant 0 : index
    %get3A_130 = vector.load %arg5[%get3A_127, %get3A_128, %get3A_129] : memref<1x1024x256xbf16, #tpu.memory_space<vmem>>, vector<1x1024x256xbf16>
    %get3A_131 = vector.shape_cast %get3A_130 : vector<1x1024x256xbf16> to vector<1024x256xbf16>
    %slice3A_132 = vector.extract_strided_slice %get3A_131 {offsets = [0, 64], sizes = [1024, 64], strides = [1, 1]} : vector<1024x256xbf16> to vector<1024x64xbf16>
    %dot_general3A_133 = arith.constant dense<0.000000e+00> : vector<1736x1024xf32>
    %dot_general3A_134 = tpu.matmul %slice3A_120, %slice3A_126, %dot_general3A_133 {dimension_numbers = #tpu.dot_dimension_numbers<[1], [1], [0], [0], [0, 0, 1, 0], [], []>, transpose_lhs_hint = false} : vector<1736x64xbf16>, vector<1024x64xbf16>, vector<1736x1024xf32> -> vector<1736x1024xf32>
    %convert_element_type3A_135 = arith.truncf %dot_general3A_134 : vector<1736x1024xf32> to vector<1736x1024xbf16>
    %slice3A_136 = vector.extract_strided_slice %convert_element_type3A_49 {offsets = [0, 3], sizes = [1736, 1], strides = [1, 1]} : vector<1736x12xi16> to vector<1736x1xi16>
    %eq3A_137 = vector.broadcast %slice3A_136 : vector<1736x1xi16> to vector<1736x1024xi16>
    %eq3A_138 = arith.cmpi eq, %iota3A, %eq3A_137 : vector<1736x1024xi16>
    %slice3A_139 = vector.extract_strided_slice %convert_element_type3A_49 {offsets = [0, 4], sizes = [1736, 1], strides = [1, 1]} : vector<1736x12xi16> to vector<1736x1xi16>
    %eq3A_140 = vector.broadcast %slice3A_139 : vector<1736x1xi16> to vector<1736x1024xi16>
    %eq3A_141 = arith.cmpi eq, %iota3A, %eq3A_140 : vector<1736x1024xi16>
    %slice3A_142 = vector.extract_strided_slice %convert_element_type3A_49 {offsets = [0, 5], sizes = [1736, 1], strides = [1, 1]} : vector<1736x12xi16> to vector<1736x1xi16>
    %eq3A_143 = vector.broadcast %slice3A_142 : vector<1736x1xi16> to vector<1736x1024xi16>
    %eq3A_144 = arith.cmpi eq, %iota3A, %eq3A_143 : vector<1736x1024xi16>
    %jit3A_145 = arith.constant 0.000000e+00 : bf16
    %broadcast_in_dim3A_146 = vector.broadcast %jit3A_145 : bf16 to vector<1736x1024xbf16>
    %select_n3A_147 = arith.select %eq3A_138, %convert_element_type3A_135, %broadcast_in_dim3A_146 : vector<1736x1024xi1>, vector<1736x1024xbf16>
    %dot_general3A_148 = arith.constant dense<0.000000e+00> : vector<1736x1xf32>
    %dot_general3A_149 = tpu.matmul %select_n3A_147, %broadcast_in_dim3A_51, %dot_general3A_148 {dimension_numbers = #tpu.dot_dimension_numbers<[1], [0], [0], [1], [0, 0, 1, 1], [], []>, transpose_lhs_hint = false} : vector<1736x1024xbf16>, vector<1024x1xbf16>, vector<1736x1xf32> -> vector<1736x1xf32>
    %jit3A_150 = arith.constant 0.000000e+00 : bf16
    %broadcast_in_dim3A_151 = vector.broadcast %jit3A_150 : bf16 to vector<1736x1024xbf16>
    %select_n3A_152 = arith.select %eq3A_141, %convert_element_type3A_135, %broadcast_in_dim3A_151 : vector<1736x1024xi1>, vector<1736x1024xbf16>
    %dot_general3A_153 = arith.constant dense<0.000000e+00> : vector<1736x1xf32>
    %dot_general3A_154 = tpu.matmul %select_n3A_152, %broadcast_in_dim3A_51, %dot_general3A_153 {dimension_numbers = #tpu.dot_dimension_numbers<[1], [0], [0], [1], [0, 0, 1, 1], [], []>, transpose_lhs_hint = false} : vector<1736x1024xbf16>, vector<1024x1xbf16>, vector<1736x1xf32> -> vector<1736x1xf32>
    %jit3A_155 = arith.constant 0.000000e+00 : bf16
    %broadcast_in_dim3A_156 = vector.broadcast %jit3A_155 : bf16 to vector<1736x1024xbf16>
    %select_n3A_157 = arith.select %eq3A_144, %convert_element_type3A_135, %broadcast_in_dim3A_156 : vector<1736x1024xi1>, vector<1736x1024xbf16>
    %dot_general3A_158 = arith.constant dense<0.000000e+00> : vector<1736x1xf32>
    %dot_general3A_159 = tpu.matmul %select_n3A_157, %broadcast_in_dim3A_51, %dot_general3A_158 {dimension_numbers = #tpu.dot_dimension_numbers<[1], [0], [0], [1], [0, 0, 1, 1], [], []>, transpose_lhs_hint = false} : vector<1736x1024xbf16>, vector<1024x1xbf16>, vector<1736x1xf32> -> vector<1736x1xf32>
    %max3A_160 = arith.maximumf %dot_general3A_149, %dot_general3A_154 : vector<1736x1xf32>
    %max3A_161 = arith.maximumf %max3A_160, %dot_general3A_159 : vector<1736x1xf32>
    %sub3A_162 = arith.subf %dot_general3A_149, %max3A_161 : vector<1736x1xf32>
    %exp3A_163 = math.exp %sub3A_162 : vector<1736x1xf32>
    %sub3A_164 = arith.subf %dot_general3A_154, %max3A_161 : vector<1736x1xf32>
    %exp3A_165 = math.exp %sub3A_164 : vector<1736x1xf32>
    %sub3A_166 = arith.subf %dot_general3A_159, %max3A_161 : vector<1736x1xf32>
    %exp3A_167 = math.exp %sub3A_166 : vector<1736x1xf32>
    %add3A_168 = arith.addf %exp3A_163, %exp3A_165 : vector<1736x1xf32>
    %add3A_169 = arith.addf %add3A_168, %exp3A_167 : vector<1736x1xf32>
    %div3A_170 = arith.divf %exp3A_163, %add3A_169 : vector<1736x1xf32>
    %convert_element_type3A_171 = arith.truncf %div3A_170 : vector<1736x1xf32> to vector<1736x1xbf16>
    %div3A_172 = arith.divf %exp3A_165, %add3A_169 : vector<1736x1xf32>
    %convert_element_type3A_173 = arith.truncf %div3A_172 : vector<1736x1xf32> to vector<1736x1xbf16>
    %div3A_174 = arith.divf %exp3A_167, %add3A_169 : vector<1736x1xf32>
    %convert_element_type3A_175 = arith.truncf %div3A_174 : vector<1736x1xf32> to vector<1736x1xbf16>
    %jit3A_176 = arith.constant 0.000000e+00 : bf16
    %broadcast_in_dim3A_177 = vector.shape_cast %convert_element_type3A_171 : vector<1736x1xbf16> to vector<1736x1xbf16>
    %broadcast_in_dim3A_178 = vector.broadcast %broadcast_in_dim3A_177 : vector<1736x1xbf16> to vector<1736x1024xbf16>
    %broadcast_in_dim3A_179 = vector.broadcast %jit3A_176 : bf16 to vector<1736x1024xbf16>
    %select_n3A_180 = arith.select %eq3A_138, %broadcast_in_dim3A_178, %broadcast_in_dim3A_179 : vector<1736x1024xi1>, vector<1736x1024xbf16>
    %jit3A_181 = arith.constant 0.000000e+00 : bf16
    %broadcast_in_dim3A_182 = vector.shape_cast %convert_element_type3A_173 : vector<1736x1xbf16> to vector<1736x1xbf16>
    %broadcast_in_dim3A_183 = vector.broadcast %broadcast_in_dim3A_182 : vector<1736x1xbf16> to vector<1736x1024xbf16>
    %broadcast_in_dim3A_184 = vector.broadcast %jit3A_181 : bf16 to vector<1736x1024xbf16>
    %select_n3A_185 = arith.select %eq3A_141, %broadcast_in_dim3A_183, %broadcast_in_dim3A_184 : vector<1736x1024xi1>, vector<1736x1024xbf16>
    %add3A_186 = arith.addf %select_n3A_180, %select_n3A_185 : vector<1736x1024xbf16>
    %jit3A_187 = arith.constant 0.000000e+00 : bf16
    %broadcast_in_dim3A_188 = vector.shape_cast %convert_element_type3A_175 : vector<1736x1xbf16> to vector<1736x1xbf16>
    %broadcast_in_dim3A_189 = vector.broadcast %broadcast_in_dim3A_188 : vector<1736x1xbf16> to vector<1736x1024xbf16>
    %broadcast_in_dim3A_190 = vector.broadcast %jit3A_187 : bf16 to vector<1736x1024xbf16>
    %select_n3A_191 = arith.select %eq3A_144, %broadcast_in_dim3A_189, %broadcast_in_dim3A_190 : vector<1736x1024xi1>, vector<1736x1024xbf16>
    %add3A_192 = arith.addf %add3A_186, %select_n3A_191 : vector<1736x1024xbf16>
    %dot_general3A_193 = arith.constant dense<0.000000e+00> : vector<1736x64xf32>
    %dot_general3A_194 = tpu.matmul %add3A_192, %slice3A_132, %dot_general3A_193 {dimension_numbers = #tpu.dot_dimension_numbers<[1], [0], [0], [1], [0, 0, 1, 1], [], []>, transpose_lhs_hint = false} : vector<1736x1024xbf16>, vector<1024x64xbf16>, vector<1736x64xf32> -> vector<1736x64xf32>
    %slice3A_195 = vector.extract_strided_slice %convert_element_type3A {offsets = [0, 128], sizes = [1736, 64], strides = [1, 1]} : vector<1736x256xbf16> to vector<1736x64xbf16>
    %get3A_196 = arith.constant 0 : index
    %get3A_197 = arith.constant 0 : index
    %get3A_198 = arith.constant 0 : index
    %get3A_199 = vector.load %arg4[%get3A_196, %get3A_197, %get3A_198] : memref<1x1024x256xbf16, #tpu.memory_space<vmem>>, vector<1x1024x256xbf16>
    %get3A_200 = vector.shape_cast %get3A_199 : vector<1x1024x256xbf16> to vector<1024x256xbf16>
    %slice3A_201 = vector.extract_strided_slice %get3A_200 {offsets = [0, 128], sizes = [1024, 64], strides = [1, 1]} : vector<1024x256xbf16> to vector<1024x64xbf16>
    %get3A_202 = arith.constant 0 : index
    %get3A_203 = arith.constant 0 : index
    %get3A_204 = arith.constant 0 : index
    %get3A_205 = vector.load %arg5[%get3A_202, %get3A_203, %get3A_204] : memref<1x1024x256xbf16, #tpu.memory_space<vmem>>, vector<1x1024x256xbf16>
    %get3A_206 = vector.shape_cast %get3A_205 : vector<1x1024x256xbf16> to vector<1024x256xbf16>
    %slice3A_207 = vector.extract_strided_slice %get3A_206 {offsets = [0, 128], sizes = [1024, 64], strides = [1, 1]} : vector<1024x256xbf16> to vector<1024x64xbf16>
    %dot_general3A_208 = arith.constant dense<0.000000e+00> : vector<1736x1024xf32>
    %dot_general3A_209 = tpu.matmul %slice3A_195, %slice3A_201, %dot_general3A_208 {dimension_numbers = #tpu.dot_dimension_numbers<[1], [1], [0], [0], [0, 0, 1, 0], [], []>, transpose_lhs_hint = false} : vector<1736x64xbf16>, vector<1024x64xbf16>, vector<1736x1024xf32> -> vector<1736x1024xf32>
    %convert_element_type3A_210 = arith.truncf %dot_general3A_209 : vector<1736x1024xf32> to vector<1736x1024xbf16>
    %slice3A_211 = vector.extract_strided_slice %convert_element_type3A_49 {offsets = [0, 6], sizes = [1736, 1], strides = [1, 1]} : vector<1736x12xi16> to vector<1736x1xi16>
    %eq3A_212 = vector.broadcast %slice3A_211 : vector<1736x1xi16> to vector<1736x1024xi16>
    %eq3A_213 = arith.cmpi eq, %iota3A, %eq3A_212 : vector<1736x1024xi16>
    %slice3A_214 = vector.extract_strided_slice %convert_element_type3A_49 {offsets = [0, 7], sizes = [1736, 1], strides = [1, 1]} : vector<1736x12xi16> to vector<1736x1xi16>
    %eq3A_215 = vector.broadcast %slice3A_214 : vector<1736x1xi16> to vector<1736x1024xi16>
    %eq3A_216 = arith.cmpi eq, %iota3A, %eq3A_215 : vector<1736x1024xi16>
    %slice3A_217 = vector.extract_strided_slice %convert_element_type3A_49 {offsets = [0, 8], sizes = [1736, 1], strides = [1, 1]} : vector<1736x12xi16> to vector<1736x1xi16>
    %eq3A_218 = vector.broadcast %slice3A_217 : vector<1736x1xi16> to vector<1736x1024xi16>
    %eq3A_219 = arith.cmpi eq, %iota3A, %eq3A_218 : vector<1736x1024xi16>
    %jit3A_220 = arith.constant 0.000000e+00 : bf16
    %broadcast_in_dim3A_221 = vector.broadcast %jit3A_220 : bf16 to vector<1736x1024xbf16>
    %select_n3A_222 = arith.select %eq3A_213, %convert_element_type3A_210, %broadcast_in_dim3A_221 : vector<1736x1024xi1>, vector<1736x1024xbf16>
    %dot_general3A_223 = arith.constant dense<0.000000e+00> : vector<1736x1xf32>
    %dot_general3A_224 = tpu.matmul %select_n3A_222, %broadcast_in_dim3A_51, %dot_general3A_223 {dimension_numbers = #tpu.dot_dimension_numbers<[1], [0], [0], [1], [0, 0, 1, 1], [], []>, transpose_lhs_hint = false} : vector<1736x1024xbf16>, vector<1024x1xbf16>, vector<1736x1xf32> -> vector<1736x1xf32>
    %jit3A_225 = arith.constant 0.000000e+00 : bf16
    %broadcast_in_dim3A_226 = vector.broadcast %jit3A_225 : bf16 to vector<1736x1024xbf16>
    %select_n3A_227 = arith.select %eq3A_216, %convert_element_type3A_210, %broadcast_in_dim3A_226 : vector<1736x1024xi1>, vector<1736x1024xbf16>
    %dot_general3A_228 = arith.constant dense<0.000000e+00> : vector<1736x1xf32>
    %dot_general3A_229 = tpu.matmul %select_n3A_227, %broadcast_in_dim3A_51, %dot_general3A_228 {dimension_numbers = #tpu.dot_dimension_numbers<[1], [0], [0], [1], [0, 0, 1, 1], [], []>, transpose_lhs_hint = false} : vector<1736x1024xbf16>, vector<1024x1xbf16>, vector<1736x1xf32> -> vector<1736x1xf32>
    %jit3A_230 = arith.constant 0.000000e+00 : bf16
    %broadcast_in_dim3A_231 = vector.broadcast %jit3A_230 : bf16 to vector<1736x1024xbf16>
    %select_n3A_232 = arith.select %eq3A_219, %convert_element_type3A_210, %broadcast_in_dim3A_231 : vector<1736x1024xi1>, vector<1736x1024xbf16>
    %dot_general3A_233 = arith.constant dense<0.000000e+00> : vector<1736x1xf32>
    %dot_general3A_234 = tpu.matmul %select_n3A_232, %broadcast_in_dim3A_51, %dot_general3A_233 {dimension_numbers = #tpu.dot_dimension_numbers<[1], [0], [0], [1], [0, 0, 1, 1], [], []>, transpose_lhs_hint = false} : vector<1736x1024xbf16>, vector<1024x1xbf16>, vector<1736x1xf32> -> vector<1736x1xf32>
    %max3A_235 = arith.maximumf %dot_general3A_224, %dot_general3A_229 : vector<1736x1xf32>
    %max3A_236 = arith.maximumf %max3A_235, %dot_general3A_234 : vector<1736x1xf32>
    %sub3A_237 = arith.subf %dot_general3A_224, %max3A_236 : vector<1736x1xf32>
    %exp3A_238 = math.exp %sub3A_237 : vector<1736x1xf32>
    %sub3A_239 = arith.subf %dot_general3A_229, %max3A_236 : vector<1736x1xf32>
    %exp3A_240 = math.exp %sub3A_239 : vector<1736x1xf32>
    %sub3A_241 = arith.subf %dot_general3A_234, %max3A_236 : vector<1736x1xf32>
    %exp3A_242 = math.exp %sub3A_241 : vector<1736x1xf32>
    %add3A_243 = arith.addf %exp3A_238, %exp3A_240 : vector<1736x1xf32>
    %add3A_244 = arith.addf %add3A_243, %exp3A_242 : vector<1736x1xf32>
    %div3A_245 = arith.divf %exp3A_238, %add3A_244 : vector<1736x1xf32>
    %convert_element_type3A_246 = arith.truncf %div3A_245 : vector<1736x1xf32> to vector<1736x1xbf16>
    %div3A_247 = arith.divf %exp3A_240, %add3A_244 : vector<1736x1xf32>
    %convert_element_type3A_248 = arith.truncf %div3A_247 : vector<1736x1xf32> to vector<1736x1xbf16>
    %div3A_249 = arith.divf %exp3A_242, %add3A_244 : vector<1736x1xf32>
    %convert_element_type3A_250 = arith.truncf %div3A_249 : vector<1736x1xf32> to vector<1736x1xbf16>
    %jit3A_251 = arith.constant 0.000000e+00 : bf16
    %broadcast_in_dim3A_252 = vector.shape_cast %convert_element_type3A_246 : vector<1736x1xbf16> to vector<1736x1xbf16>
    %broadcast_in_dim3A_253 = vector.broadcast %broadcast_in_dim3A_252 : vector<1736x1xbf16> to vector<1736x1024xbf16>
    %broadcast_in_dim3A_254 = vector.broadcast %jit3A_251 : bf16 to vector<1736x1024xbf16>
    %select_n3A_255 = arith.select %eq3A_213, %broadcast_in_dim3A_253, %broadcast_in_dim3A_254 : vector<1736x1024xi1>, vector<1736x1024xbf16>
    %jit3A_256 = arith.constant 0.000000e+00 : bf16
    %broadcast_in_dim3A_257 = vector.shape_cast %convert_element_type3A_248 : vector<1736x1xbf16> to vector<1736x1xbf16>
    %broadcast_in_dim3A_258 = vector.broadcast %broadcast_in_dim3A_257 : vector<1736x1xbf16> to vector<1736x1024xbf16>
    %broadcast_in_dim3A_259 = vector.broadcast %jit3A_256 : bf16 to vector<1736x1024xbf16>
    %select_n3A_260 = arith.select %eq3A_216, %broadcast_in_dim3A_258, %broadcast_in_dim3A_259 : vector<1736x1024xi1>, vector<1736x1024xbf16>
    %add3A_261 = arith.addf %select_n3A_255, %select_n3A_260 : vector<1736x1024xbf16>
    %jit3A_262 = arith.constant 0.000000e+00 : bf16
    %broadcast_in_dim3A_263 = vector.shape_cast %convert_element_type3A_250 : vector<1736x1xbf16> to vector<1736x1xbf16>
    %broadcast_in_dim3A_264 = vector.broadcast %broadcast_in_dim3A_263 : vector<1736x1xbf16> to vector<1736x1024xbf16>
    %broadcast_in_dim3A_265 = vector.broadcast %jit3A_262 : bf16 to vector<1736x1024xbf16>
    %select_n3A_266 = arith.select %eq3A_219, %broadcast_in_dim3A_264, %broadcast_in_dim3A_265 : vector<1736x1024xi1>, vector<1736x1024xbf16>
    %add3A_267 = arith.addf %add3A_261, %select_n3A_266 : vector<1736x1024xbf16>
    %dot_general3A_268 = arith.constant dense<0.000000e+00> : vector<1736x64xf32>
    %dot_general3A_269 = tpu.matmul %add3A_267, %slice3A_207, %dot_general3A_268 {dimension_numbers = #tpu.dot_dimension_numbers<[1], [0], [0], [1], [0, 0, 1, 1], [], []>, transpose_lhs_hint = false} : vector<1736x1024xbf16>, vector<1024x64xbf16>, vector<1736x64xf32> -> vector<1736x64xf32>
    %slice3A_270 = vector.extract_strided_slice %convert_element_type3A {offsets = [0, 192], sizes = [1736, 64], strides = [1, 1]} : vector<1736x256xbf16> to vector<1736x64xbf16>
    %get3A_271 = arith.constant 0 : index
    %get3A_272 = arith.constant 0 : index
    %get3A_273 = arith.constant 0 : index
    %get3A_274 = vector.load %arg4[%get3A_271, %get3A_272, %get3A_273] : memref<1x1024x256xbf16, #tpu.memory_space<vmem>>, vector<1x1024x256xbf16>
    %get3A_275 = vector.shape_cast %get3A_274 : vector<1x1024x256xbf16> to vector<1024x256xbf16>
    %slice3A_276 = vector.extract_strided_slice %get3A_275 {offsets = [0, 192], sizes = [1024, 64], strides = [1, 1]} : vector<1024x256xbf16> to vector<1024x64xbf16>
    %get3A_277 = arith.constant 0 : index
    %get3A_278 = arith.constant 0 : index
    %get3A_279 = arith.constant 0 : index
    %get3A_280 = vector.load %arg5[%get3A_277, %get3A_278, %get3A_279] : memref<1x1024x256xbf16, #tpu.memory_space<vmem>>, vector<1x1024x256xbf16>
    %get3A_281 = vector.shape_cast %get3A_280 : vector<1x1024x256xbf16> to vector<1024x256xbf16>
    %slice3A_282 = vector.extract_strided_slice %get3A_281 {offsets = [0, 192], sizes = [1024, 64], strides = [1, 1]} : vector<1024x256xbf16> to vector<1024x64xbf16>
    %dot_general3A_283 = arith.constant dense<0.000000e+00> : vector<1736x1024xf32>
    %dot_general3A_284 = tpu.matmul %slice3A_270, %slice3A_276, %dot_general3A_283 {dimension_numbers = #tpu.dot_dimension_numbers<[1], [1], [0], [0], [0, 0, 1, 0], [], []>, transpose_lhs_hint = false} : vector<1736x64xbf16>, vector<1024x64xbf16>, vector<1736x1024xf32> -> vector<1736x1024xf32>
    %convert_element_type3A_285 = arith.truncf %dot_general3A_284 : vector<1736x1024xf32> to vector<1736x1024xbf16>
    %slice3A_286 = vector.extract_strided_slice %convert_element_type3A_49 {offsets = [0, 9], sizes = [1736, 1], strides = [1, 1]} : vector<1736x12xi16> to vector<1736x1xi16>
    %eq3A_287 = vector.broadcast %slice3A_286 : vector<1736x1xi16> to vector<1736x1024xi16>
    %eq3A_288 = arith.cmpi eq, %iota3A, %eq3A_287 : vector<1736x1024xi16>
    %slice3A_289 = vector.extract_strided_slice %convert_element_type3A_49 {offsets = [0, 10], sizes = [1736, 1], strides = [1, 1]} : vector<1736x12xi16> to vector<1736x1xi16>
    %eq3A_290 = vector.broadcast %slice3A_289 : vector<1736x1xi16> to vector<1736x1024xi16>
    %eq3A_291 = arith.cmpi eq, %iota3A, %eq3A_290 : vector<1736x1024xi16>
    %slice3A_292 = vector.extract_strided_slice %convert_element_type3A_49 {offsets = [0, 11], sizes = [1736, 1], strides = [1, 1]} : vector<1736x12xi16> to vector<1736x1xi16>
    %eq3A_293 = vector.broadcast %slice3A_292 : vector<1736x1xi16> to vector<1736x1024xi16>
    %eq3A_294 = arith.cmpi eq, %iota3A, %eq3A_293 : vector<1736x1024xi16>
    %jit3A_295 = arith.constant 0.000000e+00 : bf16
    %broadcast_in_dim3A_296 = vector.broadcast %jit3A_295 : bf16 to vector<1736x1024xbf16>
    %select_n3A_297 = arith.select %eq3A_288, %convert_element_type3A_285, %broadcast_in_dim3A_296 : vector<1736x1024xi1>, vector<1736x1024xbf16>
    %dot_general3A_298 = arith.constant dense<0.000000e+00> : vector<1736x1xf32>
    %dot_general3A_299 = tpu.matmul %select_n3A_297, %broadcast_in_dim3A_51, %dot_general3A_298 {dimension_numbers = #tpu.dot_dimension_numbers<[1], [0], [0], [1], [0, 0, 1, 1], [], []>, transpose_lhs_hint = false} : vector<1736x1024xbf16>, vector<1024x1xbf16>, vector<1736x1xf32> -> vector<1736x1xf32>
    %jit3A_300 = arith.constant 0.000000e+00 : bf16
    %broadcast_in_dim3A_301 = vector.broadcast %jit3A_300 : bf16 to vector<1736x1024xbf16>
    %select_n3A_302 = arith.select %eq3A_291, %convert_element_type3A_285, %broadcast_in_dim3A_301 : vector<1736x1024xi1>, vector<1736x1024xbf16>
    %dot_general3A_303 = arith.constant dense<0.000000e+00> : vector<1736x1xf32>
    %dot_general3A_304 = tpu.matmul %select_n3A_302, %broadcast_in_dim3A_51, %dot_general3A_303 {dimension_numbers = #tpu.dot_dimension_numbers<[1], [0], [0], [1], [0, 0, 1, 1], [], []>, transpose_lhs_hint = false} : vector<1736x1024xbf16>, vector<1024x1xbf16>, vector<1736x1xf32> -> vector<1736x1xf32>
    %jit3A_305 = arith.constant 0.000000e+00 : bf16
    %broadcast_in_dim3A_306 = vector.broadcast %jit3A_305 : bf16 to vector<1736x1024xbf16>
    %select_n3A_307 = arith.select %eq3A_294, %convert_element_type3A_285, %broadcast_in_dim3A_306 : vector<1736x1024xi1>, vector<1736x1024xbf16>
    %dot_general3A_308 = arith.constant dense<0.000000e+00> : vector<1736x1xf32>
    %dot_general3A_309 = tpu.matmul %select_n3A_307, %broadcast_in_dim3A_51, %dot_general3A_308 {dimension_numbers = #tpu.dot_dimension_numbers<[1], [0], [0], [1], [0, 0, 1, 1], [], []>, transpose_lhs_hint = false} : vector<1736x1024xbf16>, vector<1024x1xbf16>, vector<1736x1xf32> -> vector<1736x1xf32>
    %max3A_310 = arith.maximumf %dot_general3A_299, %dot_general3A_304 : vector<1736x1xf32>
    %max3A_311 = arith.maximumf %max3A_310, %dot_general3A_309 : vector<1736x1xf32>
    %sub3A_312 = arith.subf %dot_general3A_299, %max3A_311 : vector<1736x1xf32>
    %exp3A_313 = math.exp %sub3A_312 : vector<1736x1xf32>
    %sub3A_314 = arith.subf %dot_general3A_304, %max3A_311 : vector<1736x1xf32>
    %exp3A_315 = math.exp %sub3A_314 : vector<1736x1xf32>
    %sub3A_316 = arith.subf %dot_general3A_309, %max3A_311 : vector<1736x1xf32>
    %exp3A_317 = math.exp %sub3A_316 : vector<1736x1xf32>
    %add3A_318 = arith.addf %exp3A_313, %exp3A_315 : vector<1736x1xf32>
    %add3A_319 = arith.addf %add3A_318, %exp3A_317 : vector<1736x1xf32>
    %div3A_320 = arith.divf %exp3A_313, %add3A_319 : vector<1736x1xf32>
    %convert_element_type3A_321 = arith.truncf %div3A_320 : vector<1736x1xf32> to vector<1736x1xbf16>
    %div3A_322 = arith.divf %exp3A_315, %add3A_319 : vector<1736x1xf32>
    %convert_element_type3A_323 = arith.truncf %div3A_322 : vector<1736x1xf32> to vector<1736x1xbf16>
    %div3A_324 = arith.divf %exp3A_317, %add3A_319 : vector<1736x1xf32>
    %convert_element_type3A_325 = arith.truncf %div3A_324 : vector<1736x1xf32> to vector<1736x1xbf16>
    %jit3A_326 = arith.constant 0.000000e+00 : bf16
    %broadcast_in_dim3A_327 = vector.shape_cast %convert_element_type3A_321 : vector<1736x1xbf16> to vector<1736x1xbf16>
    %broadcast_in_dim3A_328 = vector.broadcast %broadcast_in_dim3A_327 : vector<1736x1xbf16> to vector<1736x1024xbf16>
    %broadcast_in_dim3A_329 = vector.broadcast %jit3A_326 : bf16 to vector<1736x1024xbf16>
    %select_n3A_330 = arith.select %eq3A_288, %broadcast_in_dim3A_328, %broadcast_in_dim3A_329 : vector<1736x1024xi1>, vector<1736x1024xbf16>
    %jit3A_331 = arith.constant 0.000000e+00 : bf16
    %broadcast_in_dim3A_332 = vector.shape_cast %convert_element_type3A_323 : vector<1736x1xbf16> to vector<1736x1xbf16>
    %broadcast_in_dim3A_333 = vector.broadcast %broadcast_in_dim3A_332 : vector<1736x1xbf16> to vector<1736x1024xbf16>
    %broadcast_in_dim3A_334 = vector.broadcast %jit3A_331 : bf16 to vector<1736x1024xbf16>
    %select_n3A_335 = arith.select %eq3A_291, %broadcast_in_dim3A_333, %broadcast_in_dim3A_334 : vector<1736x1024xi1>, vector<1736x1024xbf16>
    %add3A_336 = arith.addf %select_n3A_330, %select_n3A_335 : vector<1736x1024xbf16>
    %jit3A_337 = arith.constant 0.000000e+00 : bf16
    %broadcast_in_dim3A_338 = vector.shape_cast %convert_element_type3A_325 : vector<1736x1xbf16> to vector<1736x1xbf16>
    %broadcast_in_dim3A_339 = vector.broadcast %broadcast_in_dim3A_338 : vector<1736x1xbf16> to vector<1736x1024xbf16>
    %broadcast_in_dim3A_340 = vector.broadcast %jit3A_337 : bf16 to vector<1736x1024xbf16>
    %select_n3A_341 = arith.select %eq3A_294, %broadcast_in_dim3A_339, %broadcast_in_dim3A_340 : vector<1736x1024xi1>, vector<1736x1024xbf16>
    %add3A_342 = arith.addf %add3A_336, %select_n3A_341 : vector<1736x1024xbf16>
    %dot_general3A_343 = arith.constant dense<0.000000e+00> : vector<1736x64xf32>
    %dot_general3A_344 = tpu.matmul %add3A_342, %slice3A_282, %dot_general3A_343 {dimension_numbers = #tpu.dot_dimension_numbers<[1], [0], [0], [1], [0, 0, 1, 1], [], []>, transpose_lhs_hint = false} : vector<1736x1024xbf16>, vector<1024x64xbf16>, vector<1736x64xf32> -> vector<1736x64xf32>
    %concatenate3A_345 = tpu.concatenate %dot_general3A_119, %dot_general3A_194, %dot_general3A_269, %dot_general3A_344 in 1 : vector<1736x64xf32>, vector<1736x64xf32>, vector<1736x64xf32>, vector<1736x64xf32> -> vector<1736x256xf32>
    %get3A_346 = arith.constant 0 : index
    %get3A_347 = arith.constant 0 : index
    %get3A_348 = vector.load %arg12[%get3A_346, %get3A_347] : memref<256x256xf32, #tpu.memory_space<vmem>>, vector<256x256xf32>
    %dot_general3A_349 = arith.constant dense<0.000000e+00> : vector<1736x256xf32>
    %dot_general3A_350 = tpu.matmul %concatenate3A_345, %get3A_348, %dot_general3A_349 {dimension_numbers = #tpu.dot_dimension_numbers<[1], [0], [0], [1], [0, 0, 1, 1], [], []>, transpose_lhs_hint = false} : vector<1736x256xf32>, vector<256x256xf32>, vector<1736x256xf32> -> vector<1736x256xf32>
    %get3A_351 = arith.constant 0 : index
    %get3A_352 = arith.constant 0 : index
    %get3A_353 = vector.load %arg13[%get3A_351, %get3A_352] : memref<1x256xf32, #tpu.memory_space<vmem>>, vector<1x256xf32>
    %get3A_354 = vector.shape_cast %get3A_353 : vector<1x256xf32> to vector<256xf32>
    %broadcast_in_dim3A_355 = vector.shape_cast %get3A_354 : vector<256xf32> to vector<1x256xf32>
    %add3A_356 = vector.broadcast %broadcast_in_dim3A_355 : vector<1x256xf32> to vector<1736x256xf32>
    %add3A_357 = arith.addf %dot_general3A_350, %add3A_356 : vector<1736x256xf32>
    %swap3A = arith.constant 0 : index
    %swap3A_358 = arith.constant 0 : index
    %swap3A_359 = arith.constant 0 : index
    %swap3A_360 = arith.constant 0 : index
    %swap3A_361 = vector.load %arg14[%swap3A, %swap3A_358, %swap3A_359, %swap3A_360] : memref<1x1x1736x256xf32, #tpu.memory_space<vmem>>, vector<1x1x1736x256xf32>
    %swap3A_362 = vector.shape_cast %swap3A_361 : vector<1x1x1736x256xf32> to vector<1736x256xf32>
    %swap3A_363 = vector.shape_cast %add3A_357 : vector<1736x256xf32> to vector<1x1x1736x256xf32>
    tpu.vector_store %arg14[%swap3A, %swap3A_358, %swap3A_359, %swap3A_360], %swap3A_363 {strides = array<i32>} : memref<1x1x1736x256xf32, #tpu.memory_space<vmem>>, vector<1x1x1736x256xf32>,
    return
  }
  func.func @transform_0(%arg0: i32, %arg1: i32, %arg2: i32) -> (i32, i32, i32) {
    %c0_i32 = arith.constant 0 : i32
    %c0_i32_0 = arith.constant 0 : i32
    return %arg0, %arg2, %c0_i32 : i32, i32, i32
  }
  func.func @transform_1(%arg0: i32, %arg1: i32, %arg2: i32) -> (i32, i32, i32) {
    %c0_i32 = arith.constant 0 : i32
    %c0_i32_0 = arith.constant 0 : i32
    %c0_i32_1 = arith.constant 0 : i32
    return %arg1, %c0_i32, %c0_i32_0 : i32, i32, i32
  }
  func.func @transform_2(%arg0: i32, %arg1: i32, %arg2: i32) -> (i32, i32, i32) {
    %c0_i32 = arith.constant 0 : i32
    %c0_i32_0 = arith.constant 0 : i32
    %c0_i32_1 = arith.constant 0 : i32
    return %arg1, %c0_i32, %c0_i32_0 : i32, i32, i32
  }
  func.func @transform_3(%arg0: i32, %arg1: i32, %arg2: i32) -> (i32, i32, i32) {
    %c0_i32 = arith.constant 0 : i32
    %c0_i32_0 = arith.constant 0 : i32
    %c0_i32_1 = arith.constant 0 : i32
    return %arg1, %c0_i32, %c0_i32_0 : i32, i32, i32
  }
  func.func @transform_4(%arg0: i32, %arg1: i32, %arg2: i32) -> (i32, i32) {
    %c0_i32 = arith.constant 0 : i32
    %c0_i32_0 = arith.constant 0 : i32
    return %arg2, %c0_i32 : i32, i32
  }
  func.func @transform_5(%arg0: i32, %arg1: i32, %arg2: i32) -> (i32, i32) {
    %c0_i32 = arith.constant 0 : i32
    %c0_i32_0 = arith.constant 0 : i32
    %c0_i32_1 = arith.constant 0 : i32
    return %c0_i32, %c0_i32_0 : i32, i32
  }
  func.func @transform_6(%arg0: i32, %arg1: i32, %arg2: i32) -> (i32, i32) {
    %c0_i32 = arith.constant 0 : i32
    %c0_i32_0 = arith.constant 0 : i32
    %c0_i32_1 = arith.constant 0 : i32
    return %c0_i32, %c0_i32_0 : i32, i32
  }
  func.func @transform_7(%arg0: i32, %arg1: i32, %arg2: i32) -> (i32, i32) {
    %c0_i32 = arith.constant 0 : i32
    %c0_i32_0 = arith.constant 0 : i32
    %c0_i32_1 = arith.constant 0 : i32
    return %c0_i32, %c0_i32_0 : i32, i32
  }
  func.func @transform_8(%arg0: i32, %arg1: i32, %arg2: i32) -> (i32, i32) {
    %c0_i32 = arith.constant 0 : i32
    %c0_i32_0 = arith.constant 0 : i32
    %c0_i32_1 = arith.constant 0 : i32
    return %c0_i32, %c0_i32_0 : i32, i32
  }
  func.func @transform_9(%arg0: i32, %arg1: i32, %arg2: i32) -> (i32, i32) {
    %c0_i32 = arith.constant 0 : i32
    %c0_i32_0 = arith.constant 0 : i32
    %c0_i32_1 = arith.constant 0 : i32
    return %c0_i32, %c0_i32_0 : i32, i32
  }
  func.func @transform_10(%arg0: i32, %arg1: i32, %arg2: i32) -> (i32, i32) {
    %c0_i32 = arith.constant 0 : i32
    %c0_i32_0 = arith.constant 0 : i32
    %c0_i32_1 = arith.constant 0 : i32
    return %c0_i32, %c0_i32_0 : i32, i32
  }
  func.func @transform_11(%arg0: i32, %arg1: i32, %arg2: i32) -> (i32, i32, i32, i32) {
    %c0_i32 = arith.constant 0 : i32
    %c0_i32_0 = arith.constant 0 : i32
    return %arg0, %arg1, %arg2, %c0_i32 : i32, i32, i32, i32
  }
}

</mosaic_0001>

<sc_bundles>
// kernel: scatter_offload_async_start
scs
__scs_entry_jumppad:
0x0: {  	(pc) =	sbr.rel $0x88, $3  }
0x1: {  	(tag) =	ssettag $0x0;
	lr =	simm.s32 $0x1  }
0x2: {  	[smem:$0x3F93] =	sst lr;
	_ =	strace $0xD0000000  }
0x3: {  	_ = 	snop  }
0x4: {  	_ = 	snop  }
0x5: {  	_ = 	snop  }
0x6: {  	_ = 	snop  }
0x7: {  	_ = 	snop  }
__scs_overlays_trampoline_lowered:
0x8: {  	[smem:$0x3FA2] =	sst s0  }
0x9: {  	[smem:$0x3FA3] =	sst s1  }
0xa: {  	[smem:$0x3FA4] =	sst s2  }
0xb: {  	[smem:$0x3FA5] =	sst s3  }
0xc: {  	[smem:$0x3FA6] =	sst s4  }
0xd: {  	[smem:$0x3FA7] =	sst s5  }
0xe: {  	[smem:$0x3FA8] =	sst s6  }
0xf: {  	[smem:$0x3FA9] =	sst s7  }
0x10: {  	[smem:$0x3FAA] =	sst s8  }
0x11: {  	[smem:$0x3FAB] =	sst s9;
	s0 =	simm.s32 @!p0 $0x0  }
0x12: {  	s1 =	sld [smem:$0x3F91];
	s0 =	simm.s32 @p0 $0x1  }
0x13: {  	[smem:$0x3FAC] =	sst s0;
	s0 =	simm.s32 @!p1 $0x0  }
0x14: {  	s2 =	sld [smem:$0x3F90];
	s0 =	simm.s32 @p1 $0x1  }
0x15: {  	[smem:$0x3FAD] =	sst s0;
	s0 =	simm.s32 @!p2 $0x0  }
0x16: {  	s3 =	sld [smem:$0x3FDB];
	s0 =	simm.s32 @p2 $0x1  }
0x17: {  	s4 =	simm.s32 $0x1BF5;
	[smem:$0x3FAF] =	sst s0  }
0x18: {  	s0 =	sld [smem:$0x3F92];
	_ =	swait.ge [sflag:s4], $0x0  }
0x19: {  	s7 =	sld [smem:$0x3F93]  }
0x1a: {  	s8 =	sadd.s32 $0xFFFFE003, lr  }
0x1b: {  	s9 =	sadd.s32 $0xFFFFFEF7, lr;
	s5 =	simm.s32 $0xFFFFFFFF;
	p2 =	slt.u32 s8, $0xFFFFF086  }
0x1c: {  	p1 =	slt.u32 s9, $0xF7A;
	s5 =	simm.s32 @!p2 $0x0  }
0x1d: {  	s5 =	simm.s32 @p1 $0x1;
	p0 =	seq.s32 s7, s2  }
0x1e: {  	s7 =	smul.u32 @!p0 $0xF7A, s2;
	p2 =	seq.s32 @!p0 s5, $0x0  }
0x1f: {  	s9 =	smul.u32 $0xF7A, s1;
	s8 =	simm.s32 @!p0 $0x1BF5;
	p2 =	por !p2, p0  }
0x20: {  	[sflag:s8] =	ssyncset.s32 @!p0 $0xFFFFF086;
	s6 =	sadd.s32 @!p0 s3, s7;
	s7 =	simm.s32 @!p0 $0x108  }
0x21: {  	s3 =	sadd.s32 s3, s9;
	s6 =	sadd.s32 @!p0 $0x88, s6;
	s7 =	simm.s32 @p2 $0x1082  }
0x22: {  	[simem:s7], [sflag:s8] =	dma.local @!p0 [hbm:s6], $0xF7A  }
0x23: {  	s9 =	sor.u32 $0xD0000000, s2;
	s6 =	simm.s32 $0x108;
	_ =	swait.ge @!p0 [sflag:s8], $0x0  }
0x24: {  	s3 =	sadd.s32 $0x88, s3;
	s6 =	simm.s32 @!p1 $0x1082;
	[sflag:s4] =	ssyncset.s32 $0xFFFFF086  }
0x25: {  	[simem:s6], [sflag:s4] =	dma.local [hbm:s3], $0xF7A  }
0x26: {  	[smem:$0x3F93] =	sst s1;
	(tag) =	ssettag s2;
	_ =	strace s9  }
0x27: {  	s1 =	sld [smem:$0x3FA3]  }
0x28: {  	s2 =	sld [smem:$0x3FA4]  }
0x29: {  	s4 =	sld [smem:$0x3FA6]  }
0x2a: {  	p0 =	seq.s32 s5, $0x0;
	s5 =	sld [smem:$0x3FA7]  }
0x2b: {  	s6 =	sld [smem:$0x3FA8]  }
0x2c: {  	s7 =	sld [smem:$0x3FA9]  }
0x2d: {  	s3 =	simm.s32 $0x108;
	s8 =	sld [smem:$0x3FAA]  }
0x2e: {  	s3 =	simm.s32 @!p0 $0x1082;
	s9 =	sld [smem:$0x3FAB]  }
0x2f: {  	lr =	sadd.s32 s0, s3;
	s0 =	sld [smem:$0x3FA2]  }
0x30: {  	s3 =	sld [smem:$0x3FA5]  }
0x31: {  	[smem:$0x3FAE] =	sst s10  }
0x32: {  	s10 =	sld [smem:$0x3FAC];
	_ =	sdelay $0x3  }
0x33: {  	p0 =	seq.s32 s10, $0x1;
	s10 =	sld [smem:$0x3FAE];
	_ =	sdelay $0x3  }
0x34: {  	[smem:$0x3FAE] =	sst s10  }
0x35: {  	s10 =	sld [smem:$0x3FAD];
	_ =	sdelay $0x3  }
0x36: {  	p1 =	seq.s32 s10, $0x1;
	s10 =	sld [smem:$0x3FAE];
	_ =	sdelay $0x3  }
0x37: {  	[smem:$0x3FAE] =	sst s10  }
0x38: {  	s10 =	sld [smem:$0x3FAF]  }
0x39: {  	_ = 	snop;
	(pc) =	sbr.ind lr, $3  }
0x3a: {  	_ = 	snop  }
0x3b: {  	_ = 	snop  }
0x3c: {  	p2 =	seq.s32 s10, $0x1;
	s10 =	sld [smem:$0x3FAE]  }
0x3d: {  	_ =	shalt  }
0x3e: {  	_ =	shalt  }
0x3f: {  	_ =	shalt  }
0x40: {  	_ =	shalt  }
0x41: {  	_ =	shalt  }
0x42: {  	_ =	shalt  }
0x43: {  	_ =	shalt  }
0x44: {  	_ =	shalt  }
0x45: {  	_ =	shalt  }
0x46: {  	_ =	shalt  }
0x47: {  	_ =	shalt  }
0x48: {  	_ =	shalt  }
0x49: {  	_ =	shalt  }
0x4a: {  	_ =	shalt  }
0x4b: {  	_ =	shalt  }
0x4c: {  	_ =	shalt  }
0x4d: {  	_ =	shalt  }
0x4e: {  	_ =	shalt  }
0x4f: {  	_ =	shalt  }
0x50: {  	_ =	shalt  }
0x51: {  	_ =	shalt  }
0x52: {  	_ =	shalt  }
0x53: {  	_ =	shalt  }
0x54: {  	_ =	shalt  }
0x55: {  	_ =	shalt  }
0x56: {  	_ =	shalt  }
0x57: {  	_ =	shalt  }
0x58: {  	_ =	shalt  }
0x59: {  	_ =	shalt  }
0x5a: {  	_ =	shalt  }
0x5b: {  	_ =	shalt  }
0x5c: {  	_ =	shalt  }
0x5d: {  	_ =	shalt  }
0x5e: {  	_ =	shalt  }
0x5f: {  	_ =	shalt  }
0x60: {  	_ =	shalt  }
0x61: {  	_ =	shalt  }
0x62: {  	_ =	shalt  }
0x63: {  	_ =	shalt  }
0x64: {  	_ =	shalt  }
0x65: {  	_ =	shalt  }
0x66: {  	_ =	shalt  }
0x67: {  	_ =	shalt  }
0x68: {  	_ =	shalt  }
0x69: {  	_ =	shalt  }
0x6a: {  	_ =	shalt  }
0x6b: {  	_ =	shalt  }
0x6c: {  	_ =	shalt  }
0x6d: {  	_ =	shalt  }
0x6e: {  	_ =	shalt  }
0x6f: {  	_ =	shalt  }
0x70: {  	_ =	shalt  }
0x71: {  	_ =	shalt  }
0x72: {  	_ =	shalt  }
0x73: {  	_ =	shalt  }
0x74: {  	_ =	shalt  }
0x75: {  	_ =	shalt  }
0x76: {  	_ =	shalt  }
0x77: {  	_ =	shalt  }
0x78: {  	_ =	shalt  }
0x79: {  	_ =	shalt  }
0x7a: {  	_ =	shalt  }
0x7b: {  	_ =	shalt  }
0x7c: {  	_ =	shalt  }
0x7d: {  	_ =	shalt  }
0x7e: {  	_ =	shalt  }
0x7f: {  	_ =	shalt  }
0x80: {  	_ =	shalt  }
0x81: {  	_ =	shalt  }
0x82: {  	_ =	shalt  }
0x83: {  	_ =	shalt  }
0x84: {  	_ =	shalt  }
0x85: {  	_ =	shalt  }
0x86: {  	_ =	shalt  }
0x87: {  	_ =	shalt  }
.Lfunc_end0:
.L_simem_size_0:
called_computation_lowered:
.L_overlay_start_0:
0x88: {  	s0 =	sld [smem:$0x3FD9]  }
0x89: {  	s1 =	sld [smem:$0x3FFE];
	_ =	sdelay $0x3  }
0x8a: {  	s0 =	sadd.s32 s1, s0  }
0x8b: {  	[smem:$0x3FBA] =	sst s0  }
0x8c: {  	_ = 	snop  }
0x8d: {  	s0 =	sld [smem:$0x3FD0];
	(tm) =	ssettm $0x1  }
0x8e: {  	s16 =	sld [smem:$0x3FFB];
	_ =	sdelay $0x3  }
0x8f: {  	_ =	strace s16  }
0x90: {  	s1 =	sld [smem:$0x3FFC];
	_ =	sdelay $0x3  }
0x91: {  	_ =	strace s1  }
0x92: {  	s1 =	sld [smem:$0x3FFD];
	_ =	sdelay $0x3  }
0x93: {  	_ =	strace s1  }
0x94: {  	_ =	strace $0x8FFFFFFF  }
0x95: {  	s17 =	sld [smem:$0x3FDB];
	_ =	sdelay $0x1  }
0x96: {  	s2 =	simm.s32 $_scs_section_size  }
0x97: {  	s3 =	simm.s32 $_size__tile_overlayer_lowered;
	s4 =	simm.s32 $_tile_overlayer_lowered  }
0x98: {  	s20 =	simm.s32 $0x1BFF;
	s19 =	sshll.u32 s4, $0x1;
	s1 =	sadd.s32 s2, s17  }
0x99: {  	s5 =	simm.s32 $0x0;
	s18 =	sshll.u32 s3, $0x1;
	s3 =	sadd.s32 s19, s1  }
0x9a: {  	[timem:s5], [sflag:s20] =	dma.local [hbm:s3], s18  }
0x9b: {  	_ =	swait.ge [sflag:s20], s18  }
0x9c: {  	s2 =	ssub.s32 $0x0, s18;
	[sflag:s20] =	ssyncset.done $0x0  }
0x9d: {  	[sflag:s20] =	ssyncadd.s32 s2;
	_ =	sdelay $0x1  }
0x9e: {  	s21 =	simm.s32 $0x1B8B  }
0x9f: {  	_ =	swait.ge [sflag:s21], $0x1  }
0xa0: {  	[sflag:s21] =	ssyncset.done $0x0  }
0xa1: {  	s23 =	simm.s32 $0x1B8E;
	s22 =	sld [smem:$0x3FFE];
	[sflag:s21] =	ssyncadd.s32 $0xFFFFFFFF  }
0xa2: {  	s24 =	simm.s32 $execute0_lowered;
	[smem:$0x3FD2] =	sst s23  }
0xa3: {  	s3 =	sshll.u32 s24, $0x1;
	_ =	strace $0x80000046;
	[dreg:$0x1] =	wrdreg $0xFFFFFFFF  }
0xa4: {  	s25 =	simm.s32 $_size_execute0_lowered;
	s1 =	sadd.s32 s1, s3;
	[dreg:$0x0] =	wrdreg $0x0  }
0xa5: {  	s3 =	sshll.u32 s25, $0x1;
	[dreg:$0x2] =	wrdreg s1  }
0xa6: {  	[dreg:$0x3] =	wrdreg s3  }
0xa7: {  	[dreg:$0x4] =	wrdreg $0xC0  }
0xa8: {  	_ =	task [dreg:s5], $0x5FFFF  }
0xa9: {  	[dreg:$0x1] =	wrdreg $0xFFFFFFFF  }
0xaa: {  	[dreg:$0x0] =	wrdreg $0x60  }
0xab: {  	[dreg:$0x2] =	wrdreg s0  }
0xac: {  	[dreg:$0x3] =	wrdreg s22  }
0xad: {  	[dreg:$0x4] =	wrdreg $0x9  }
0xae: {  	_ =	task.clear_ibuf [dreg:s5], $0x5FFFF;
	_ =	strace $0x90000046  }
0xaf: {  	s26 =	simm.s32 $0x9;
	_ =	strace $0x80000048  }
0xb0: {  	_ =	swait.ge [sflag:s26], $0x1  }
0xb1: {  	[sflag:s26] =	ssyncadd.s32 $0xFFFFFFFF  }
0xb2: {  	_ =	strace $0x90000048  }
0xb3: {  	_ =	sfence  }
0xb4: {  	s28 =	sld [smem:$0x0];
	_ =	sdelay $0x1  }
0xb5: {  	s29 =	srdreg.scid  }
0xb6: {  	s30 =	sshll.u32 s29, $0xD;
	s31 =	sshrl.u32 s29, $0x2  }
0xb7: {  	s2 =	sand.u32 $0x4000, s30;
	s1 =	sand.u32 $0x1, s29;
	s0 =	sadd.s32 s31, s28  }
0xb8: {  	s1 =	sor.u32 s2, s1;
	s0 =	sshll.u32 s0, $0x11  }
0xb9: {  	s0 =	sor.u32 s0, s1  }
0xba: {  	s0 =	sadd.s32 $0x8F2B, s0  }
0xbb: {  	[sflag:s0] =	ssyncadd.remote.s32 $0x1  }
0xbc: {  	_ =	sfence.sel $0xFFFF  }
0xbd: {  	[dreg:$0x0] =	wrdreg $0xFFFFFFFF;
	(pc) =	sbr.abs _section_cstart, $3  }
0xbe: {  	[dreg:$0x1] =	wrdreg $0xFFFFFFFF  }
0xbf: {  	_ =	task.clear_ibuf [dreg:s5], $0x2FFFF;
	_ =	strace $0x9FFFFFFF  }
0xc0: {  	(tm) =	ssettm $0x7FFFFFFF  }
0xc1: {  	_ =	shalt  }
tec
execute0_lowered:
.L_overlay_start_1:
0x0: {  	(tag) =	ssettag $0x1  }
0x1: {  	s1 =	rddreg [dreg:$0x0]  }
0x2: {  	s4 =	rddreg [dreg:$0x1]  }
0x3: {  	s0 =	rddreg [dreg:$0x2];
	s3 =	stileid.u32  }
0x4: {  	_ =	strace $0x80000047;
	s6 =	simm.s32 $0x3E;
	p0 =	sne.s32 s3, $0x0  }
0x5: {  	[sflag:s6] =	ssyncpa.u1 $0x0;
	s31 =	smin.u32 s3, $0x2;
	p1 =	slt.u32 s3, $0x2  }
0x6: {  	s3 =	simm.s32 $0x10;
	s5 =	simm.s32 @!p0 $0x1C3E;
	s2 =	simm.s32 @!p0 $0x0  }
0x7: {  	[spmem:s2], [sflag:s5] =	dma.local @!p0 [hbm:s1], $0x580  }
0x8: {  	s3 =	simm.s32 @!p1 $0x0;
	s5 =	sshll.u32 s31, $0x4  }
0x9: {  	s3 =	sadd.s32 s3, s5  }
0xa: {  	s9 =	smin.u32 s3, $0x20  }
0xb: {  	s8 =	ssub.s32 s9, s5  }
0xc: {  	p1 =	sgt.s32 s8, $0x0  }
0xd: {  	s7 =	simm.s32 @!p0 $0x3E;
	s8 =	simm.s32 @!p1 $0x0  }
0xe: {  	_ =	swait.ge @!p0 [sflag:s7], $0x580;
	s10 =	sshrl.u32 s8, $0x4  }
0xf: {  	[sflag:s7] =	ssyncset.done @!p0 $0x0;
	s11 =	sadd.s32 $0x1, s10  }
0x10: {  	p3 =	por $0x0, $0x0;
	[sflag:s7] =	ssyncadd.s32 @!p0 $0xFFFFFA80;
	p1 =	sne.s32 s11, $0x1  }
.Ltmp0:
0x11: {  	s3 =	simm.s32 $0x1;
	[bflag:$0x0] =	sbarrier.arrive $0xFFFF;
	(pc) =	sbr.rel @!p1 .LBB2_1-.Ltmp0, $4  }
0x12: {  	s7 =	sadd.s32 $0x8000, s4;
	[sflag:s6] =	ssyncpa.u1 $0x1;
	s6 =	sadd.s32 $0x8200, s4  }
0x13: {  	s4 =	simm.s32 $0x2;
	s8 =	simm.s32 $0x0;
	p2 =	sle.u32 s10, $0x0  }
0x14: {  	[sflag:s3] =	ssyncpa.u1 $0x0;
	(ifvalue) =	ssetifvalue $0x2C00;
	s12 =	sxor.u32 @!p2 $0xFFFFFFFF, s8  }
0x15: {  	[sflag:s4] =	ssyncpa.u1 $0x0;
	s15 =	sshrl.u32 @!p2 s5, $0x3;
	s16 =	sand.u32 @!p2 $0x10, s12  }
0x16: {  	s12 =	sadd.s32 @!p2 s7, s15  }
0x17: {  	s13 =	sor.u32 @!p2 $0x2C0, s16;
	s14 =	sand.u32 @!p2 $0x7, s5;
	p1 =	por $0x1, $0x1  }
0x18: {  	[tilespmem:s13], [sflag:$0x2] =	stream.linear.gather @!p2 [hbm4b:s12+s14], $0x10, $0x38;
	[tilespmem:$0x300] =	vst v63  }
0x19: {  	s15 =	sadd.s32 @!p2 s6, s15;
	s12 =	sor.u32 @!p2 $0x2E0, s16;
	s13 =	simm.s32 @!p1 $0x2  }
0x1a: {  	[tilespmem:s12], [sflag:$0x2] =	stream.linear.gather @!p2 [hbm4b:s15+s14], $0x10, $0x38;
	[tilespmem:$0x300] =	vst v63  }
0x1b: {  	_ =	swait.ge @!p1 [sflag:s13], $0x20  }
0x1c: {  	s8 =	sand.u32 @!p1 $0x10, s8;
	[sflag:s13] =	ssyncset.done @!p1 $0x0  }
0x1d: {  	s12 =	sor.u32 @!p1 $0x2C0, s8;
	[sflag:s13] =	ssyncadd.s32 @!p1 $0xFFFFFFE0  }
0x1e: {  	v0 =	vld.msk @!p1 [tilespmem:s12+$0x0 ss:$0x1], $0xffff;
	_ =	sdelay $0x3  }
0x1f: {  	p4 =	sne.s32 s11, $0x2  }
.Ltmp1:
0x20: {  	s18 =	simm.s32 @!p1 $0x0;
	s17 =	simm.s32 @!p1 $0x1;
	v0 =	vmin.u32 @!p1 v0, $0x2C00;
	(pc) =	sbr.rel @!p4 .LBB2_3-.Ltmp1, $4  }
0x21: {  	s15 =	sadd.s32 $0x10, s5;
	p2 =	sle.u32 s10, $0x1;
	s14 =	smov.u32 s5  }
0x22: {  	p3 =	slt.s32 s15, s9;
	s13 =	sor.u32 @!p1 $0x2E0, s8;
	s8 =	simm.s32 $0x10  }
0x23: {  	s14 =	smov.u32 @p3 s15;
	p3 =	por $0x1, $0x1;
	s16 =	sxor.u32 @!p2 $0xFFFFFFFF, s8  }
0x24: {  	vm0 =	vmmov @!p1 $0xffff;
	s15 =	sshrl.u32 @!p2 s14, $0x3;
	s12 =	simm.s32 $0x2;
	s16 =	sand.u32 @!p2 $0x10, s16  }
.LBB2_4:
0x25: {  	[spmem:s18] =	stream.indirect_vreg.scatter.add.s32 @!p1 [tilespmem:s13], [sflag:$0x1], $0x1, v0, vm0, $0x4038;
	[tilespmem:$0x300] =	vst v63  }
0x26: {  	s13 =	sadd.s32 @!p2 s7, s15;
	s18 =	sor.u32 @!p2 $0x2C0, s16;
	_ =	swait.ge @!p1 [sflag:s17], $0x10  }
0x27: {  	s19 =	smov.u32 s12;
	s12 =	sadd.s32 $0x1, s12;
	[sflag:s17] =	ssyncset.done @!p1 $0x0  }
0x28: {  	s20 =	sand.u32 @!p2 $0x7, s14;
	[sflag:s17] =	ssyncadd.s32 @!p1 $0xFFFFFFF0;
	p1 =	seq.s32 s8, $0x0  }
0x29: {  	[tilespmem:s18], [sflag:$0x2] =	stream.linear.gather @!p2 [hbm4b:s13+s20], $0x10, $0x38;
	[tilespmem:$0x300] =	vst v63  }
0x2a: {  	s16 =	sor.u32 @!p2 $0x2E0, s16;
	s17 =	simm.s32 @!p1 $0x2;
	s13 =	sand.u32 @!p1 $0x10, s8  }
0x2b: {  	s15 =	sadd.s32 @!p2 s6, s15;
	s18 =	sor.u32 @!p1 $0x2C0, s13;
	s13 =	sor.u32 @!p1 $0x2E0, s13  }
0x2c: {  	[tilespmem:s16], [sflag:$0x2] =	stream.linear.gather @!p2 [hbm4b:s15+s20], $0x10, $0x38;
	[tilespmem:$0x300] =	vst v63  }
0x2d: {  	p4 =	sne.s32 s11, s12;
	_ =	swait.ge @!p1 [sflag:s17], $0x20  }
0x2e: {  	[sflag:s17] =	ssyncset.done @!p1 $0x0  }
0x2f: {  	[sflag:s17] =	ssyncadd.s32 @!p1 $0xFFFFFFE0  }
0x30: {  	v0 =	vld.msk @!p1 [tilespmem:s18+$0x0 ss:$0x1], $0xffff;
	_ =	sdelay $0x5  }
.Ltmp2:
0x31: {  	s8 =	sadd.s32 $0x10, s8;
	v0 =	vmin.u32 @!p1 v0, $0x2C00;
	(pc) =	sbr.rel @p4 .LBB2_4-.Ltmp2, $4  }
0x32: {  	vm0 =	vmmov @!p1 $0xffff;
	s15 =	sadd.s32 $0x10, s14;
	p2 =	sge.u32 s19, s10;
	s18 =	simm.s32 @!p1 $0x0  }
0x33: {  	s14 =	smov.u32 s5;
	p5 =	slt.s32 s15, s9;
	s17 =	simm.s32 @!p1 $0x1  }
0x34: {  	s16 =	sxor.u32 @!p2 $0xFFFFFFFF, s8;
	s14 =	smov.u32 @p5 s15  }
0x35: {  	s16 =	sand.u32 @!p2 $0x10, s16;
	s15 =	sshrl.u32 @!p2 s14, $0x3  }
0x36: {  	s5 =	smov.u32 s14  }
.LBB2_6:
0x37: {  	_ =	sdelay $0x2  }
0x38: {  	p3 =	por p1, !p3  }
0x39: {  	[spmem:s18] =	stream.indirect_vreg.scatter.add.s32 @!p3 [tilespmem:s13], [sflag:$0x1], $0x1, v0, vm0, $0x4038;
	[tilespmem:$0x300] =	vst v63  }
0x3a: {  	_ =	swait.ge @!p3 [sflag:s17], $0x10  }
0x3b: {  	s7 =	sadd.s32 @!p2 s7, s15;
	s9 =	sor.u32 @!p2 $0x2C0, s16;
	[sflag:s17] =	ssyncset.done @!p3 $0x0  }
0x3c: {  	s5 =	sand.u32 @!p2 $0x7, s5;
	p1 =	seq.s32 s8, $0x0;
	[sflag:s17] =	ssyncadd.s32 @!p3 $0xFFFFFFF0  }
0x3d: {  	[tilespmem:s9], [sflag:$0x2] =	stream.linear.gather @!p2 [hbm4b:s7+s5], $0x10, $0x38;
	[tilespmem:$0x300] =	vst v63  }
0x3e: {  	s6 =	sadd.s32 @!p2 s6, s15;
	s7 =	sor.u32 @!p2 $0x2E0, s16;
	s9 =	simm.s32 @!p1 $0x2  }
0x3f: {  	[tilespmem:s7], [sflag:$0x2] =	stream.linear.gather @!p2 [hbm4b:s6+s5], $0x10, $0x38;
	[tilespmem:$0x300] =	vst v63  }
0x40: {  	_ =	swait.ge @!p1 [sflag:s9], $0x20  }
0x41: {  	s5 =	sand.u32 @!p1 $0x10, s8;
	[sflag:s9] =	ssyncset.done @!p1 $0x0  }
0x42: {  	s6 =	sor.u32 @!p1 $0x2C0, s5;
	[sflag:s9] =	ssyncadd.s32 @!p1 $0xFFFFFFE0  }
0x43: {  	v0 =	vld.msk @!p1 [tilespmem:s6+$0x0 ss:$0x1], $0xffff;
	_ =	sdelay $0x4  }
0x44: {  	v0 =	vmin.u32 @!p1 v0, $0x2C00;
	_ =	sdelay $0x3  }
0x45: {  	vm0 =	vmmov @!p1 $0xffff;
	s7 =	simm.s32 @!p1 $0x1;
	s5 =	sor.u32 @!p1 $0x2E0, s5;
	s6 =	simm.s32 @!p1 $0x0  }
0x46: {  	[spmem:s6] =	stream.indirect_vreg.scatter.add.s32 @!p1 [tilespmem:s5], [sflag:$0x1], $0x1, v0, vm0, $0x4038;
	[tilespmem:$0x300] =	vst v63  }
0x47: {  	_ =	swait.ge @!p1 [sflag:s7], $0x10  }
0x48: {  	[sflag:s7] =	ssyncset.done @!p1 $0x0  }
0x49: {  	[sflag:s7] =	ssyncadd.s32 @!p1 $0xFFFFFFF0  }
0x4a: {  	_ =	sfence.sel $0x180000  }
0x4b: {  	[bflag:$0x0] =	sbarrier.arrive $0xFFFF  }
0x4c: {  	[sflag:s4] =	ssyncpa.u1 $0x1  }
0x4d: {  	[sflag:s3] =	ssyncpa.u1 $0x1  }
0x4e: {  	_ =	sfence.stream.spmem  }
0x4f: {  	s31 =	simm.s32 $0x3D;
	[bflag:$0x0] =	sbarrier.arrive $0xFFFF  }
0x50: {  	s3 =	simm.s32 @p0 $0x3D;
	[sflag:s31] =	ssyncpa.u1 $0x0  }
0x51: {  	[sflag:s3] =	ssyncpa.u1 @p0 $0x1  }
0x52: {  	[bflag:$0x0] =	sbarrier.arrive @p0 $0xFFFF  }
0x53: {  	_ =	strace @p0 $0x90000047  }
0x54: {  	s3 =	simm.s32 @!p0 $0x1C3D;
	[bflag:$0x2] =	sbarrier.arrive @p0 $0xFFFF  }
0x55: {  	[hbm:s1], [sflag:s3] =	dma.local @!p0 [spmem:s2], $0x580  }
0x56: {  	s1 =	simm.s32 @!p0 $0x3D  }
0x57: {  	_ =	swait.ge @!p0 [sflag:s1], $0x580  }
0x58: {  	[sflag:s1] =	ssyncset.done @!p0 $0x0  }
0x59: {  	[sflag:s1] =	ssyncadd.s32 @!p0 $0xFFFFFA80  }
0x5a: {  	[sflag:s1] =	ssyncpa.u1 @!p0 $0x1  }
0x5b: {  	[bflag:$0x0] =	sbarrier.arrive @!p0 $0xFFFF  }
0x5c: {  	_ =	strace @!p0 $0x90000047  }
0x5d: {  	s0 =	sadd.s32 @!p0 $0x100000, s0;
	[bflag:$0x2] =	sbarrier.arrive @!p0 $0xFFFF  }
0x5e: {  	[sflag:s0] =	ssyncadd.tile.s32 @!p0 $0x1;
	_ =	shalt  }
.LBB2_1:
.Ltmp3:
0x5f: {  	(pc) =	sbr.rel .LBB2_6-.Ltmp3, $2  }
0x60: {  	_ =	sdelay $0x2  }
0x61: {  	_ = 	snop  }
.LBB2_3:
.Ltmp4:
0x62: {  	(pc) =	sbr.rel .LBB2_6-.Ltmp4, $2  }
0x63: {  	_ =	sdelay $0x2  }
0x64: {  	s5 =	smov.u32 s14  }
.Lfunc_end2:
_tile_overlayer_lowered:
.L_overlay_start_2:
0x65: {  	(tag) =	ssettag $0x2  }
0x66: {  	s0 =	rddreg [dreg:$0x0];
	s2 =	stileid.u32  }
0x67: {  	s1 =	rddreg [dreg:$0x1];
	p0 =	sne.s32 s2, $0x0  }
0x68: {  	s3 =	rddreg [dreg:$0x2];
	[bflag:$0x3] =	sbarrier.arrive $0xFFFF;
	s2 =	simm.s32 @!p0 $0x1C01  }
0x69: {  	[timem:s3], [sflag:s2] =	dma.local @!p0 [hbm:s0], s1  }
0x6a: {  	s0 =	simm.s32 @!p0 $0x1  }
0x6b: {  	_ =	swait.ge @!p0 [sflag:s0], s1  }
0x6c: {  	s1 =	ssub.s32 @!p0 $0x0, s1;
	[sflag:s0] =	ssyncset.done @!p0 $0x0  }
0x6d: {  	[sflag:s0] =	ssyncadd.s32 @!p0 s1  }
0x6e: {  	[bflag:$0x3] =	sbarrier.arrive $0xFFFF  }
0x6f: {  	_ =	shalt  }

</sc_bundles>
